<compile_context>
chip_gen: v7x
topology: tpu7x:2x2x1
jax: 0.10.2.dev20260603
libtpu: 0.0.44.dev20260713+nightly
codegen_flags: <defaults>
</compile_context>

<pallas_src>
import functools

import jax
import jax.numpy as jnp
from jax import lax
from jax.experimental import pallas as pl
from jax.experimental.pallas import tpu as pltpu
from jax.experimental.pallas import tpu_sc as plsc

N_CORES = 2
N_SUBCORES = 16
NW = N_CORES * N_SUBCORES
NBUF = 2


def _sc_aggregate(n_nodes, feats, n_chunks, chunk):
  rows_per_tile = n_nodes // N_SUBCORES

  mesh = plsc.VectorSubcoreMesh(core_axis_name="c", subcore_axis_name="s")

  @functools.partial(
      pl.kernel,
      out_type=(
          jax.ShapeDtypeStruct((N_CORES, n_nodes, feats), jnp.float32),
          jax.ShapeDtypeStruct((N_CORES, n_nodes), jnp.float32),
      ),
      mesh=mesh,
      compiler_params=pltpu.CompilerParams(use_tc_tiling_on_sc=False),
      scratch_types=[
          pltpu.VMEM((n_chunks * chunk,), jnp.int32),
          pltpu.VMEM((n_chunks * chunk,), jnp.int32),
          [pltpu.VMEM((chunk, feats), jnp.float32)] * NBUF,
          pltpu.VMEM((chunk,), jnp.float32),
          pltpu.VMEM_SHARED((n_nodes, feats), jnp.float32),
          pltpu.VMEM_SHARED((n_nodes,), jnp.float32),
          [pltpu.SemaphoreType.DMA] * NBUF,
          pltpu.SemaphoreType.DMA,
          pltpu.SemaphoreType.DMA,
      ],
  )
  def agg(x_hbm, edge_hbm, zacc_hbm, zdeg_hbm, ones_hbm,
          acc_hbm, deg_hbm,
          row_v, col_v, msgs, ones_v, acc_sh, deg_sh,
          gsem, sem_s, sem_d):
    c = lax.axis_index("c")
    s = lax.axis_index("s")
    wid = c * N_SUBCORES + s
    row0 = s * rows_per_tile

    dr = rows_per_tile // 8 * 8
    tail = n_nodes - N_SUBCORES * dr
    pltpu.sync_copy(zacc_hbm, acc_sh.at[pl.ds(row0, rows_per_tile)])
    pltpu.sync_copy(zdeg_hbm, deg_sh.at[pl.ds(s * dr, dr)])
    if tail:
      @pl.when(s == N_SUBCORES - 1)
      def _():
        pltpu.sync_copy(zdeg_hbm.at[pl.ds(0, tail)],
                        deg_sh.at[pl.ds(N_SUBCORES * dr, tail)])
    pltpu.sync_copy(ones_hbm, ones_v)
    pltpu.sync_copy(edge_hbm.at[0, wid], row_v)
    pltpu.sync_copy(edge_hbm.at[1, wid], col_v)

    plsc.subcore_barrier()

    def scatter_chunk(i, buf):
      ridx = row_v.at[pl.ds(i * chunk, chunk)]
      da = pltpu.async_copy(buf, acc_sh.at[ridx], sem_s, add=True)
      pltpu.async_copy(ones_v, deg_sh.at[ridx], sem_d, add=True)
      da.wait()

    def fire_gather(i, b):
      cidx = col_v.at[pl.ds(i * chunk, chunk)]
      pltpu.async_copy(x_hbm.at[cidx], msgs[b], gsem[b])

    def wait_gather(i, b):
      cidx = col_v.at[pl.ds(i * chunk, chunk)]
      pltpu.make_async_copy(x_hbm.at[cidx], msgs[b], gsem[b]).wait()

    fire_gather(0, 0)
    fire_gather(1, 1)

    def body(j, carry):
      for k in range(NBUF):
        i = NBUF * j + k
        wait_gather(i, k)
        scatter_chunk(i, msgs[k])

        @pl.when(i + 2 < n_chunks)
        def _():
          fire_gather(i + 2, k)
      return carry
    lax.fori_loop(0, n_chunks // NBUF, body, 0)

    for i in range(n_chunks // NBUF * NBUF, n_chunks):
      wait_gather(i, i % NBUF)
      scatter_chunk(i, msgs[i % NBUF])

    def drain_deg(i, carry):
      ridx = row_v.at[pl.ds(i * chunk, chunk)]
      pltpu.make_async_copy(ones_v, deg_sh.at[ridx], sem_d).wait()
      return carry
    lax.fori_loop(0, n_chunks, drain_deg, 0)

    plsc.subcore_barrier()

    d0 = s * dr
    pltpu.sync_copy(acc_sh.at[pl.ds(d0, dr)], acc_hbm.at[c, pl.ds(d0, dr)])
    pltpu.sync_copy(deg_sh.at[pl.ds(d0, dr)], deg_hbm.at[c, pl.ds(d0, dr)])
    if tail:
      @pl.when(s == N_SUBCORES - 1)
      def _():
        t0 = N_SUBCORES * dr
        pltpu.sync_copy(acc_sh.at[pl.ds(t0, tail)],
                        acc_hbm.at[c, pl.ds(t0, tail)])
        pltpu.sync_copy(deg_sh.at[pl.ds(t0, tail)],
                        deg_hbm.at[c, pl.ds(t0, tail)])

  return agg


def _tc_body(x_ref, acc_ref, deg_ref, w_ref, b_ref, out_ref):
  neigh_sum = acc_ref[0] + acc_ref[1]
  deg = deg_ref[0] + deg_ref[1]
  neigh_mean = neigh_sum / jnp.maximum(deg, 1.0)[:, None]
  f = x_ref.shape[1]
  out_ref[...] = (
      jnp.dot(x_ref[...], w_ref[0:f], preferred_element_type=jnp.float32)
      + jnp.dot(neigh_mean, w_ref[f : 2 * f],
                preferred_element_type=jnp.float32)
      + b_ref[...]
  )


def kernel(x, edge_index, W, b):
  n, f = x.shape
  e = edge_index.shape[1]
  chunk = 80
  n_chunks = e // (NW * chunk)
  rows_per_tile = n // N_SUBCORES
  edge4 = edge_index.reshape(2, NW, n_chunks * chunk)
  zacc = jnp.zeros((rows_per_tile, f), jnp.float32)
  zdeg = jnp.zeros((rows_per_tile // 8 * 8,), jnp.float32)
  ones = jnp.ones((chunk,), jnp.float32)

  acc, deg = _sc_aggregate(n, f, n_chunks, chunk)(
      x, edge4, zacc, zdeg, ones)

  out = pl.pallas_call(
      _tc_body,
      grid=(1,),
      in_specs=[
          pl.BlockSpec((n, f), lambda i: (0, 0)),
          pl.BlockSpec((N_CORES, n, f), lambda i: (0, 0, 0)),
          pl.BlockSpec((N_CORES, n), lambda i: (0, 0)),
          pl.BlockSpec((2 * f, f), lambda i: (0, 0)),
          pl.BlockSpec((1, f), lambda i: (0, 0)),
      ],
      out_specs=pl.BlockSpec((n, f), lambda i: (0, 0)),
      out_shape=jax.ShapeDtypeStruct((n, f), jnp.float32),
  )(x, acc, deg, W, b.reshape(1, f))
  return out

# --- scband reference (transcript-rebuilt; emitter-appended) ---
"""Pipeline reference for scband-graph-sagelayer-1554778161866 (READ-ONLY COPY).

The authoritative reference and input builder live on the scoring server;
editing this copy changes nothing except your own understanding.
"""

import jax, jax.numpy as jnp
import numpy as np

N_NODES = 10000
N_EDGES = 320000
IN_FEATS = 128
OUT_FEATS = 128


def setup_inputs(seed: int = 0) -> dict:
    key = jax.random.key(seed)
    k1, k2, k3 = jax.random.split(key, 3)
    x = jax.random.normal(k1, (N_NODES, IN_FEATS), dtype=jnp.float32)
    edge_index = jax.random.randint(k2, (2, N_EDGES), 0, N_NODES, dtype=jnp.int32)
    # GraphSAGE mean-aggregator parameters: linear over [self || neigh_mean]
    W = jax.random.normal(k3, (2 * IN_FEATS, OUT_FEATS), dtype=jnp.float32) * 0.05
    b = jnp.zeros((OUT_FEATS,), dtype=jnp.float32)
    return {"x": x, "edge_index": edge_index, "W": W, "b": b}


def reference(x, edge_index, W, b):
    # edge_weight is None in the torch module -> ones
    row = edge_index[0]  # dst rows of sparse adj
    col = edge_index[1]  # src cols (neighbors gathered)
    ew = jnp.ones((edge_index.shape[1],), dtype=x.dtype)
    n = x.shape[0]
    # sparse matmul adj @ x == scatter-add of gathered neighbor feats into rows
    msgs = x[col] * ew[:, None]
    neigh_sum = jax.ops.segment_sum(msgs, row, num_segments=n)
    deg = jax.ops.segment_sum(ew, row, num_segments=n)
    neigh_mean = neigh_sum / jnp.clip(deg, 1.0)[:, None]
    h = jnp.concatenate([x, neigh_mean], axis=-1)
    out = h @ W + b
    # normalize=False -> no L2 normalization
    return out

if __name__ == "__main__":
    import jax
    _d = setup_inputs()
    print(jax.jit(kernel)(*tuple(_d.values())))

</pallas_src>

<mosaic_0001>
#map = affine_map<(d0, d1) -> (0, 0)>
#map1 = affine_map<(d0, d1) -> (0, 0, 0)>
#map2 = affine_map<(d0, d1) -> (0)>
module attributes {stable_mosaic.version = 14 : i64} {
  func.func @agg(%arg0: i32, %arg1: i32, %arg2: memref<10000x128xf32, #tpu.memory_space<hbm>>, %arg3: memref<2x32x10000xi32, #tpu.memory_space<hbm>>, %arg4: memref<625x128xf32, #tpu.memory_space<hbm>>, %arg5: memref<624xf32, #tpu.memory_space<hbm>>, %arg6: memref<80xf32, #tpu.memory_space<hbm>>, %arg7: memref<2x10000x128xf32, #tpu.memory_space<hbm>>, %arg8: memref<2x10000xf32, #tpu.memory_space<hbm>>, %arg9: memref<10000xi32, #tpu.memory_space<vmem>>, %arg10: memref<10000xi32, #tpu.memory_space<vmem>>, %arg11: memref<80x128xf32, #tpu.memory_space<vmem>>, %arg12: memref<80x128xf32, #tpu.memory_space<vmem>>, %arg13: memref<80xf32, #tpu.memory_space<vmem>>, %arg14: memref<10000x128xf32, #tpu.memory_space<vmem_shared>>, %arg15: memref<10000xf32, #tpu.memory_space<vmem_shared>>, %arg16: memref<!tpu.dma_semaphore, #tpu.memory_space<semaphore_mem>>, %arg17: memref<!tpu.dma_semaphore, #tpu.memory_space<semaphore_mem>>, %arg18: memref<!tpu.dma_semaphore, #tpu.memory_space<semaphore_mem>>, %arg19: memref<!tpu.dma_semaphore, #tpu.memory_space<semaphore_mem>>) attributes {dimension_semantics = [#tpu.dimension_semantics<core_parallel>, #tpu.dimension_semantics<subcore_parallel>], iteration_bounds = array<i64: 2, 16>, scalar_prefetch = 0 : i64, scratch_operands = 11 : i64, tpu.core_type = #tpu.core_type<sc_vector_subcore>, window_params = [{transform_indices = #map}, {transform_indices = #map1}, {transform_indices = #map}, {transform_indices = #map2}, {transform_indices = #map2}, {transform_indices = #map1}, {transform_indices = #map}]} {
    %mul3A = arith.constant 16 : i32
    %mul3A_0 = arith.muli %arg0, %mul3A : i32
    %add3A = arith.addi %mul3A_0, %arg1 : i32
    %mul3A_1 = arith.constant 625 : i32
    %mul3A_2 = arith.muli %arg1, %mul3A_1 : i32
    "tpu.region"() ({
      %run_scoped3A_54 = tpu.sem_alloc : memref<!tpu.dma_semaphore, #tpu.memory_space<semaphore_mem>>
      %dma_start3A_55 = arith.constant 0 : i32
      %dma_start3A_56 = tpu.memref_slice %arg14[%mul3A_2, %dma_start3A_55] : memref<10000x128xf32, #tpu.memory_space<vmem_shared>> -> memref<625x128xf32, #tpu.memory_space<vmem_shared>>
      tpu.enqueue_dma source(%arg4 : memref<625x128xf32, #tpu.memory_space<hbm>>) target(%dma_start3A_56 : memref<625x128xf32, #tpu.memory_space<vmem_shared>>) target_semaphore(%run_scoped3A_54 : memref<!tpu.dma_semaphore, #tpu.memory_space<semaphore_mem>>)
      %dma_wait3A_57 = arith.constant 0 : i32
      %dma_wait3A_58 = tpu.memref_slice %arg14[%mul3A_2, %dma_wait3A_57] : memref<10000x128xf32, #tpu.memory_space<vmem_shared>> -> memref<625x128xf32, #tpu.memory_space<vmem_shared>>
      tpu.wait_dma2 semaphore(%run_scoped3A_54 : memref<!tpu.dma_semaphore, #tpu.memory_space<semaphore_mem>>) src(%arg4 : memref<625x128xf32, #tpu.memory_space<hbm>>) dst(%dma_wait3A_58 : memref<625x128xf32, #tpu.memory_space<vmem_shared>>)
      tpu.yield
    }) : () -> ()
    %mul3A_3 = arith.constant 624 : i32
    %mul3A_4 = arith.muli %arg1, %mul3A_3 : i32
    "tpu.region"() ({
      %run_scoped3A_54 = tpu.sem_alloc : memref<!tpu.dma_semaphore, #tpu.memory_space<semaphore_mem>>
      %dma_start3A_55 = tpu.memref_slice %arg15[%mul3A_4] : memref<10000xf32, #tpu.memory_space<vmem_shared>> -> memref<624xf32, #tpu.memory_space<vmem_shared>>
      tpu.enqueue_dma source(%arg5 : memref<624xf32, #tpu.memory_space<hbm>>) target(%dma_start3A_55 : memref<624xf32, #tpu.memory_space<vmem_shared>>) target_semaphore(%run_scoped3A_54 : memref<!tpu.dma_semaphore, #tpu.memory_space<semaphore_mem>>)
      %dma_wait3A_56 = tpu.memref_slice %arg15[%mul3A_4] : memref<10000xf32, #tpu.memory_space<vmem_shared>> -> memref<624xf32, #tpu.memory_space<vmem_shared>>
      tpu.wait_dma2 semaphore(%run_scoped3A_54 : memref<!tpu.dma_semaphore, #tpu.memory_space<semaphore_mem>>) src(%arg5 : memref<624xf32, #tpu.memory_space<hbm>>) dst(%dma_wait3A_56 : memref<624xf32, #tpu.memory_space<vmem_shared>>)
      tpu.yield
    }) : () -> ()
    %eq3A = arith.constant 15 : i32
    %eq3A_5 = arith.cmpi eq, %arg1, %eq3A : i32
    %convert_element_type3A = arith.extui %eq3A_5 : i1 to i32
    %cond3A = arith.constant 0 : i32
    %cond3A_6 = arith.cmpi ne, %convert_element_type3A, %cond3A : i32
    scf.if %cond3A_6 {
      "tpu.region"() ({
        %run_scoped3A_54 = tpu.sem_alloc : memref<!tpu.dma_semaphore, #tpu.memory_space<semaphore_mem>>
        %dma_start3A_55 = arith.constant 9984 : i32
        %dma_start3A_56 = tpu.memref_slice %arg15[%dma_start3A_55] : memref<10000xf32, #tpu.memory_space<vmem_shared>> -> memref<16xf32, #tpu.memory_space<vmem_shared>>
        %dma_start3A_57 = arith.constant 0 : i32
        %dma_start3A_58 = tpu.memref_slice %arg5[%dma_start3A_57] : memref<624xf32, #tpu.memory_space<hbm>> -> memref<16xf32, #tpu.memory_space<hbm>>
        tpu.enqueue_dma source(%dma_start3A_58 : memref<16xf32, #tpu.memory_space<hbm>>) target(%dma_start3A_56 : memref<16xf32, #tpu.memory_space<vmem_shared>>) target_semaphore(%run_scoped3A_54 : memref<!tpu.dma_semaphore, #tpu.memory_space<semaphore_mem>>)
        %dma_wait3A_59 = arith.constant 9984 : i32
        %dma_wait3A_60 = tpu.memref_slice %arg15[%dma_wait3A_59] : memref<10000xf32, #tpu.memory_space<vmem_shared>> -> memref<16xf32, #tpu.memory_space<vmem_shared>>
        %dma_wait3A_61 = arith.constant 0 : i32
        %dma_wait3A_62 = tpu.memref_slice %arg5[%dma_wait3A_61] : memref<624xf32, #tpu.memory_space<hbm>> -> memref<16xf32, #tpu.memory_space<hbm>>
        tpu.wait_dma2 semaphore(%run_scoped3A_54 : memref<!tpu.dma_semaphore, #tpu.memory_space<semaphore_mem>>) src(%dma_wait3A_62 : memref<16xf32, #tpu.memory_space<hbm>>) dst(%dma_wait3A_60 : memref<16xf32, #tpu.memory_space<vmem_shared>>)
        tpu.yield
      }) : () -> ()
    } else {
    }
    "tpu.region"() ({
      %run_scoped3A_54 = tpu.sem_alloc : memref<!tpu.dma_semaphore, #tpu.memory_space<semaphore_mem>>
      tpu.enqueue_dma source(%arg6 : memref<80xf32, #tpu.memory_space<hbm>>) target(%arg13 : memref<80xf32, #tpu.memory_space<vmem>>) target_semaphore(%run_scoped3A_54 : memref<!tpu.dma_semaphore, #tpu.memory_space<semaphore_mem>>)
      tpu.wait_dma2 semaphore(%run_scoped3A_54 : memref<!tpu.dma_semaphore, #tpu.memory_space<semaphore_mem>>) src(%arg6 : memref<80xf32, #tpu.memory_space<hbm>>) dst(%arg13 : memref<80xf32, #tpu.memory_space<vmem>>)
      tpu.yield
    }) : () -> ()
    %run_scoped3A = arith.constant 0 : i32
    "tpu.region"() ({
      %run_scoped3A_54 = tpu.sem_alloc : memref<!tpu.dma_semaphore, #tpu.memory_space<semaphore_mem>>
      %dma_start3A_55 = arith.constant 0 : i32
      %dma_start3A_56 = tpu.memref_slice %arg3[%run_scoped3A, %add3A, %dma_start3A_55] : memref<2x32x10000xi32, #tpu.memory_space<hbm>> -> memref<1x1x10000xi32, #tpu.memory_space<hbm>>
      %dma_start3A_57 = tpu.memref_squeeze %dma_start3A_56 : memref<1x1x10000xi32, #tpu.memory_space<hbm>> -> memref<10000xi32, #tpu.memory_space<hbm>>
      %dma_start3A_58 = arith.constant 0 : i32
      %dma_start3A_59 = tpu.memref_slice %arg3[%run_scoped3A, %add3A, %dma_start3A_58] : memref<2x32x10000xi32, #tpu.memory_space<hbm>> -> memref<1x1x10000xi32, #tpu.memory_space<hbm>>
      %dma_start3A_60 = tpu.memref_squeeze %dma_start3A_59 : memref<1x1x10000xi32, #tpu.memory_space<hbm>> -> memref<10000xi32, #tpu.memory_space<hbm>>
      tpu.enqueue_dma source(%dma_start3A_60 : memref<10000xi32, #tpu.memory_space<hbm>>) target(%arg9 : memref<10000xi32, #tpu.memory_space<vmem>>) target_semaphore(%run_scoped3A_54 : memref<!tpu.dma_semaphore, #tpu.memory_space<semaphore_mem>>)
      %dma_wait3A_61 = arith.constant 0 : i32
      %dma_wait3A_62 = tpu.memref_slice %arg3[%run_scoped3A, %add3A, %dma_wait3A_61] : memref<2x32x10000xi32, #tpu.memory_space<hbm>> -> memref<1x1x10000xi32, #tpu.memory_space<hbm>>
      %dma_wait3A_63 = tpu.memref_squeeze %dma_wait3A_62 : memref<1x1x10000xi32, #tpu.memory_space<hbm>> -> memref<10000xi32, #tpu.memory_space<hbm>>
      %dma_wait3A_64 = arith.constant 0 : i32
      %dma_wait3A_65 = tpu.memref_slice %arg3[%run_scoped3A, %add3A, %dma_wait3A_64] : memref<2x32x10000xi32, #tpu.memory_space<hbm>> -> memref<1x1x10000xi32, #tpu.memory_space<hbm>>
      %dma_wait3A_66 = tpu.memref_squeeze %dma_wait3A_65 : memref<1x1x10000xi32, #tpu.memory_space<hbm>> -> memref<10000xi32, #tpu.memory_space<hbm>>
      tpu.wait_dma2 semaphore(%run_scoped3A_54 : memref<!tpu.dma_semaphore, #tpu.memory_space<semaphore_mem>>) src(%dma_wait3A_66 : memref<10000xi32, #tpu.memory_space<hbm>>) dst(%arg9 : memref<10000xi32, #tpu.memory_space<vmem>>)
      tpu.yield
    }) : () -> ()
    %run_scoped3A_7 = arith.constant 1 : i32
    "tpu.region"() ({
      %run_scoped3A_54 = tpu.sem_alloc : memref<!tpu.dma_semaphore, #tpu.memory_space<semaphore_mem>>
      %dma_start3A_55 = arith.constant 0 : i32
      %dma_start3A_56 = tpu.memref_slice %arg3[%run_scoped3A_7, %add3A, %dma_start3A_55] : memref<2x32x10000xi32, #tpu.memory_space<hbm>> -> memref<1x1x10000xi32, #tpu.memory_space<hbm>>
      %dma_start3A_57 = tpu.memref_squeeze %dma_start3A_56 : memref<1x1x10000xi32, #tpu.memory_space<hbm>> -> memref<10000xi32, #tpu.memory_space<hbm>>
      %dma_start3A_58 = arith.constant 0 : i32
      %dma_start3A_59 = tpu.memref_slice %arg3[%run_scoped3A_7, %add3A, %dma_start3A_58] : memref<2x32x10000xi32, #tpu.memory_space<hbm>> -> memref<1x1x10000xi32, #tpu.memory_space<hbm>>
      %dma_start3A_60 = tpu.memref_squeeze %dma_start3A_59 : memref<1x1x10000xi32, #tpu.memory_space<hbm>> -> memref<10000xi32, #tpu.memory_space<hbm>>
      tpu.enqueue_dma source(%dma_start3A_60 : memref<10000xi32, #tpu.memory_space<hbm>>) target(%arg10 : memref<10000xi32, #tpu.memory_space<vmem>>) target_semaphore(%run_scoped3A_54 : memref<!tpu.dma_semaphore, #tpu.memory_space<semaphore_mem>>)
      %dma_wait3A_61 = arith.constant 0 : i32
      %dma_wait3A_62 = tpu.memref_slice %arg3[%run_scoped3A_7, %add3A, %dma_wait3A_61] : memref<2x32x10000xi32, #tpu.memory_space<hbm>> -> memref<1x1x10000xi32, #tpu.memory_space<hbm>>
      %dma_wait3A_63 = tpu.memref_squeeze %dma_wait3A_62 : memref<1x1x10000xi32, #tpu.memory_space<hbm>> -> memref<10000xi32, #tpu.memory_space<hbm>>
      %dma_wait3A_64 = arith.constant 0 : i32
      %dma_wait3A_65 = tpu.memref_slice %arg3[%run_scoped3A_7, %add3A, %dma_wait3A_64] : memref<2x32x10000xi32, #tpu.memory_space<hbm>> -> memref<1x1x10000xi32, #tpu.memory_space<hbm>>
      %dma_wait3A_66 = tpu.memref_squeeze %dma_wait3A_65 : memref<1x1x10000xi32, #tpu.memory_space<hbm>> -> memref<10000xi32, #tpu.memory_space<hbm>>
      tpu.wait_dma2 semaphore(%run_scoped3A_54 : memref<!tpu.dma_semaphore, #tpu.memory_space<semaphore_mem>>) src(%dma_wait3A_66 : memref<10000xi32, #tpu.memory_space<hbm>>) dst(%arg10 : memref<10000xi32, #tpu.memory_space<vmem>>)
      tpu.yield
    }) : () -> ()
    %barrier3A = arith.constant 0 : index
    tpu.barrier barrier_id(%barrier3A)
    %dma_start3A = arith.constant 0 : i32
    %dma_start3A_8 = tpu.memref_slice %arg10[%dma_start3A] : memref<10000xi32, #tpu.memory_space<vmem>> -> memref<80xi32, #tpu.memory_space<vmem>>
    %dma_start3A_9 = arith.constant 0 : i32
    %dma_start3A_10 = arith.constant 0 : i32
    %dma_start3A_11 = tpu.memref_slice %arg2[%dma_start3A_9, %dma_start3A_10] : memref<10000x128xf32, #tpu.memory_space<hbm>> -> memref<10000x128xf32, #tpu.memory_space<hbm>>
    tpu.enqueue_indirect_dma source(%dma_start3A_11 : memref<10000x128xf32, #tpu.memory_space<hbm>>) target(%arg11 : memref<80x128xf32, #tpu.memory_space<vmem>>) offsets(%dma_start3A_8 : memref<80xi32, #tpu.memory_space<vmem>>) semaphore(%arg16 : memref<!tpu.dma_semaphore, #tpu.memory_space<semaphore_mem>>)
    %dma_start3A_12 = arith.constant 80 : i32
    %dma_start3A_13 = tpu.memref_slice %arg10[%dma_start3A_12] : memref<10000xi32, #tpu.memory_space<vmem>> -> memref<80xi32, #tpu.memory_space<vmem>>
    %dma_start3A_14 = arith.constant 0 : i32
    %dma_start3A_15 = arith.constant 0 : i32
    %dma_start3A_16 = tpu.memref_slice %arg2[%dma_start3A_14, %dma_start3A_15] : memref<10000x128xf32, #tpu.memory_space<hbm>> -> memref<10000x128xf32, #tpu.memory_space<hbm>>
    tpu.enqueue_indirect_dma source(%dma_start3A_16 : memref<10000x128xf32, #tpu.memory_space<hbm>>) target(%arg12 : memref<80x128xf32, #tpu.memory_space<vmem>>) offsets(%dma_start3A_13 : memref<80xi32, #tpu.memory_space<vmem>>) semaphore(%arg17 : memref<!tpu.dma_semaphore, #tpu.memory_space<semaphore_mem>>)
    %scan3A = arith.constant 0 : i32
    %scan3A_17 = arith.constant 0 : i32
    %scan3A_18 = arith.constant 62 : i32
    %scan3A_19 = arith.addi %scan3A_17, %scan3A_18 : i32
    %scan3A_20 = arith.constant 1 : i32
    scf.for %scan3A_54 = %scan3A_17 to %scan3A_19 step %scan3A_20  : i32 {
      %mul3A_55 = arith.constant 2 : i32
      %mul3A_56 = arith.muli %mul3A_55, %scan3A_54 : i32
      %add3A_57 = arith.constant 0 : i32
      %add3A_58 = arith.addi %mul3A_56, %add3A_57 : i32
      %mul3A_59 = arith.constant 80 : i32
      %mul3A_60 = arith.muli %add3A_58, %mul3A_59 : i32
      %dma_wait3A_61 = tpu.memref_slice %arg10[%mul3A_60] : memref<10000xi32, #tpu.memory_space<vmem>> -> memref<80xi32, #tpu.memory_space<vmem>>
      %dma_wait3A_62 = arith.constant 0 : i32
      %dma_wait3A_63 = arith.constant 0 : i32
      %dma_wait3A_64 = tpu.memref_slice %arg2[%dma_wait3A_62, %dma_wait3A_63] : memref<10000x128xf32, #tpu.memory_space<hbm>> -> memref<10000x128xf32, #tpu.memory_space<hbm>>
      tpu.wait_indirect_dma semaphore(%arg16 : memref<!tpu.dma_semaphore, #tpu.memory_space<semaphore_mem>>) src(%dma_wait3A_64 : memref<10000x128xf32, #tpu.memory_space<hbm>>) dst(%arg11 : memref<80x128xf32, #tpu.memory_space<vmem>>)
      %mul3A_65 = arith.constant 80 : i32
      %mul3A_66 = arith.muli %add3A_58, %mul3A_65 : i32
      %dma_start3A_67 = tpu.memref_slice %arg9[%mul3A_66] : memref<10000xi32, #tpu.memory_space<vmem>> -> memref<80xi32, #tpu.memory_space<vmem>>
      %dma_start3A_68 = arith.constant 0 : i32
      %dma_start3A_69 = arith.constant 0 : i32
      %dma_start3A_70 = tpu.memref_slice %arg14[%dma_start3A_68, %dma_start3A_69] : memref<10000x128xf32, #tpu.memory_space<vmem_shared>> -> memref<10000x128xf32, #tpu.memory_space<vmem_shared>>
      tpu.enqueue_indirect_dma source(%arg11 : memref<80x128xf32, #tpu.memory_space<vmem>>) target(%dma_start3A_70 : memref<10000x128xf32, #tpu.memory_space<vmem_shared>>) offsets(%dma_start3A_67 : memref<80xi32, #tpu.memory_space<vmem>>) semaphore(%arg18 : memref<!tpu.dma_semaphore, #tpu.memory_space<semaphore_mem>>) {add = true}
      %dma_start3A_71 = tpu.memref_slice %arg9[%mul3A_66] : memref<10000xi32, #tpu.memory_space<vmem>> -> memref<80xi32, #tpu.memory_space<vmem>>
      %dma_start3A_72 = arith.constant 0 : i32
      %dma_start3A_73 = tpu.memref_slice %arg15[%dma_start3A_72] : memref<10000xf32, #tpu.memory_space<vmem_shared>> -> memref<10000xf32, #tpu.memory_space<vmem_shared>>
      tpu.enqueue_indirect_dma source(%arg13 : memref<80xf32, #tpu.memory_space<vmem>>) target(%dma_start3A_73 : memref<10000xf32, #tpu.memory_space<vmem_shared>>) offsets(%dma_start3A_71 : memref<80xi32, #tpu.memory_space<vmem>>) semaphore(%arg19 : memref<!tpu.dma_semaphore, #tpu.memory_space<semaphore_mem>>) {add = true}
      %dma_wait3A_74 = tpu.memref_slice %arg9[%mul3A_66] : memref<10000xi32, #tpu.memory_space<vmem>> -> memref<80xi32, #tpu.memory_space<vmem>>
      %dma_wait3A_75 = arith.constant 0 : i32
      %dma_wait3A_76 = arith.constant 0 : i32
      %dma_wait3A_77 = tpu.memref_slice %arg14[%dma_wait3A_75, %dma_wait3A_76] : memref<10000x128xf32, #tpu.memory_space<vmem_shared>> -> memref<10000x128xf32, #tpu.memory_space<vmem_shared>>
      tpu.wait_indirect_dma semaphore(%arg18 : memref<!tpu.dma_semaphore, #tpu.memory_space<semaphore_mem>>) src(%arg11 : memref<80x128xf32, #tpu.memory_space<vmem>>) dst(%dma_wait3A_77 : memref<10000x128xf32, #tpu.memory_space<vmem_shared>>)
      %add3A_78 = arith.constant 2 : i32
      %add3A_79 = arith.addi %add3A_58, %add3A_78 : i32
      %lt3A = arith.constant 125 : i32
      %lt3A_80 = arith.cmpi slt, %add3A_79, %lt3A : i32
      %convert_element_type3A_81 = arith.extui %lt3A_80 : i1 to i32
      %cond3A_82 = arith.constant 0 : i32
      %cond3A_83 = arith.cmpi ne, %convert_element_type3A_81, %cond3A_82 : i32
      scf.if %cond3A_83 {
        %add3A_114 = arith.constant 2 : i32
        %add3A_115 = arith.addi %add3A_58, %add3A_114 : i32
        %mul3A_116 = arith.constant 80 : i32
        %mul3A_117 = arith.muli %add3A_115, %mul3A_116 : i32
        %dma_start3A_118 = tpu.memref_slice %arg10[%mul3A_117] : memref<10000xi32, #tpu.memory_space<vmem>> -> memref<80xi32, #tpu.memory_space<vmem>>
        %dma_start3A_119 = arith.constant 0 : i32
        %dma_start3A_120 = arith.constant 0 : i32
        %dma_start3A_121 = tpu.memref_slice %arg2[%dma_start3A_119, %dma_start3A_120] : memref<10000x128xf32, #tpu.memory_space<hbm>> -> memref<10000x128xf32, #tpu.memory_space<hbm>>
        tpu.enqueue_indirect_dma source(%dma_start3A_121 : memref<10000x128xf32, #tpu.memory_space<hbm>>) target(%arg11 : memref<80x128xf32, #tpu.memory_space<vmem>>) offsets(%dma_start3A_118 : memref<80xi32, #tpu.memory_space<vmem>>) semaphore(%arg16 : memref<!tpu.dma_semaphore, #tpu.memory_space<semaphore_mem>>)
      } else {
      }
      %mul3A_84 = arith.constant 2 : i32
      %mul3A_85 = arith.muli %mul3A_84, %scan3A_54 : i32
      %add3A_86 = arith.constant 1 : i32
      %add3A_87 = arith.addi %mul3A_85, %add3A_86 : i32
      %mul3A_88 = arith.constant 80 : i32
      %mul3A_89 = arith.muli %add3A_87, %mul3A_88 : i32
      %dma_wait3A_90 = tpu.memref_slice %arg10[%mul3A_89] : memref<10000xi32, #tpu.memory_space<vmem>> -> memref<80xi32, #tpu.memory_space<vmem>>
      %dma_wait3A_91 = arith.constant 0 : i32
      %dma_wait3A_92 = arith.constant 0 : i32
      %dma_wait3A_93 = tpu.memref_slice %arg2[%dma_wait3A_91, %dma_wait3A_92] : memref<10000x128xf32, #tpu.memory_space<hbm>> -> memref<10000x128xf32, #tpu.memory_space<hbm>>
      tpu.wait_indirect_dma semaphore(%arg17 : memref<!tpu.dma_semaphore, #tpu.memory_space<semaphore_mem>>) src(%dma_wait3A_93 : memref<10000x128xf32, #tpu.memory_space<hbm>>) dst(%arg12 : memref<80x128xf32, #tpu.memory_space<vmem>>)
      %mul3A_94 = arith.constant 80 : i32
      %mul3A_95 = arith.muli %add3A_87, %mul3A_94 : i32
      %dma_start3A_96 = tpu.memref_slice %arg9[%mul3A_95] : memref<10000xi32, #tpu.memory_space<vmem>> -> memref<80xi32, #tpu.memory_space<vmem>>
      %dma_start3A_97 = arith.constant 0 : i32
      %dma_start3A_98 = arith.constant 0 : i32
      %dma_start3A_99 = tpu.memref_slice %arg14[%dma_start3A_97, %dma_start3A_98] : memref<10000x128xf32, #tpu.memory_space<vmem_shared>> -> memref<10000x128xf32, #tpu.memory_space<vmem_shared>>
      tpu.enqueue_indirect_dma source(%arg12 : memref<80x128xf32, #tpu.memory_space<vmem>>) target(%dma_start3A_99 : memref<10000x128xf32, #tpu.memory_space<vmem_shared>>) offsets(%dma_start3A_96 : memref<80xi32, #tpu.memory_space<vmem>>) semaphore(%arg18 : memref<!tpu.dma_semaphore, #tpu.memory_space<semaphore_mem>>) {add = true}
      %dma_start3A_100 = tpu.memref_slice %arg9[%mul3A_95] : memref<10000xi32, #tpu.memory_space<vmem>> -> memref<80xi32, #tpu.memory_space<vmem>>
      %dma_start3A_101 = arith.constant 0 : i32
      %dma_start3A_102 = tpu.memref_slice %arg15[%dma_start3A_101] : memref<10000xf32, #tpu.memory_space<vmem_shared>> -> memref<10000xf32, #tpu.memory_space<vmem_shared>>
      tpu.enqueue_indirect_dma source(%arg13 : memref<80xf32, #tpu.memory_space<vmem>>) target(%dma_start3A_102 : memref<10000xf32, #tpu.memory_space<vmem_shared>>) offsets(%dma_start3A_100 : memref<80xi32, #tpu.memory_space<vmem>>) semaphore(%arg19 : memref<!tpu.dma_semaphore, #tpu.memory_space<semaphore_mem>>) {add = true}
      %dma_wait3A_103 = tpu.memref_slice %arg9[%mul3A_95] : memref<10000xi32, #tpu.memory_space<vmem>> -> memref<80xi32, #tpu.memory_space<vmem>>
      %dma_wait3A_104 = arith.constant 0 : i32
      %dma_wait3A_105 = arith.constant 0 : i32
      %dma_wait3A_106 = tpu.memref_slice %arg14[%dma_wait3A_104, %dma_wait3A_105] : memref<10000x128xf32, #tpu.memory_space<vmem_shared>> -> memref<10000x128xf32, #tpu.memory_space<vmem_shared>>
      tpu.wait_indirect_dma semaphore(%arg18 : memref<!tpu.dma_semaphore, #tpu.memory_space<semaphore_mem>>) src(%arg12 : memref<80x128xf32, #tpu.memory_space<vmem>>) dst(%dma_wait3A_106 : memref<10000x128xf32, #tpu.memory_space<vmem_shared>>)
      %add3A_107 = arith.constant 2 : i32
      %add3A_108 = arith.addi %add3A_87, %add3A_107 : i32
      %lt3A_109 = arith.constant 125 : i32
      %lt3A_110 = arith.cmpi slt, %add3A_108, %lt3A_109 : i32
      %convert_element_type3A_111 = arith.extui %lt3A_110 : i1 to i32
      %cond3A_112 = arith.constant 0 : i32
      %cond3A_113 = arith.cmpi ne, %convert_element_type3A_111, %cond3A_112 : i32
      scf.if %cond3A_113 {
        %add3A_114 = arith.constant 2 : i32
        %add3A_115 = arith.addi %add3A_87, %add3A_114 : i32
        %mul3A_116 = arith.constant 80 : i32
        %mul3A_117 = arith.muli %add3A_115, %mul3A_116 : i32
        %dma_start3A_118 = tpu.memref_slice %arg10[%mul3A_117] : memref<10000xi32, #tpu.memory_space<vmem>> -> memref<80xi32, #tpu.memory_space<vmem>>
        %dma_start3A_119 = arith.constant 0 : i32
        %dma_start3A_120 = arith.constant 0 : i32
        %dma_start3A_121 = tpu.memref_slice %arg2[%dma_start3A_119, %dma_start3A_120] : memref<10000x128xf32, #tpu.memory_space<hbm>> -> memref<10000x128xf32, #tpu.memory_space<hbm>>
        tpu.enqueue_indirect_dma source(%dma_start3A_121 : memref<10000x128xf32, #tpu.memory_space<hbm>>) target(%arg12 : memref<80x128xf32, #tpu.memory_space<vmem>>) offsets(%dma_start3A_118 : memref<80xi32, #tpu.memory_space<vmem>>) semaphore(%arg17 : memref<!tpu.dma_semaphore, #tpu.memory_space<semaphore_mem>>)
      } else {
      }
    }
    %scan3A_21 = arith.constant 62 : i32
    %dma_wait3A = arith.constant 9920 : i32
    %dma_wait3A_22 = tpu.memref_slice %arg10[%dma_wait3A] : memref<10000xi32, #tpu.memory_space<vmem>> -> memref<80xi32, #tpu.memory_space<vmem>>
    %dma_wait3A_23 = arith.constant 0 : i32
    %dma_wait3A_24 = arith.constant 0 : i32
    %dma_wait3A_25 = tpu.memref_slice %arg2[%dma_wait3A_23, %dma_wait3A_24] : memref<10000x128xf32, #tpu.memory_space<hbm>> -> memref<10000x128xf32, #tpu.memory_space<hbm>>
    tpu.wait_indirect_dma semaphore(%arg16 : memref<!tpu.dma_semaphore, #tpu.memory_space<semaphore_mem>>) src(%dma_wait3A_25 : memref<10000x128xf32, #tpu.memory_space<hbm>>) dst(%arg11 : memref<80x128xf32, #tpu.memory_space<vmem>>)
    %dma_start3A_26 = arith.constant 9920 : i32
    %dma_start3A_27 = tpu.memref_slice %arg9[%dma_start3A_26] : memref<10000xi32, #tpu.memory_space<vmem>> -> memref<80xi32, #tpu.memory_space<vmem>>
    %dma_start3A_28 = arith.constant 0 : i32
    %dma_start3A_29 = arith.constant 0 : i32
    %dma_start3A_30 = tpu.memref_slice %arg14[%dma_start3A_28, %dma_start3A_29] : memref<10000x128xf32, #tpu.memory_space<vmem_shared>> -> memref<10000x128xf32, #tpu.memory_space<vmem_shared>>
    tpu.enqueue_indirect_dma source(%arg11 : memref<80x128xf32, #tpu.memory_space<vmem>>) target(%dma_start3A_30 : memref<10000x128xf32, #tpu.memory_space<vmem_shared>>) offsets(%dma_start3A_27 : memref<80xi32, #tpu.memory_space<vmem>>) semaphore(%arg18 : memref<!tpu.dma_semaphore, #tpu.memory_space<semaphore_mem>>) {add = true}
    %dma_start3A_31 = arith.constant 9920 : i32
    %dma_start3A_32 = tpu.memref_slice %arg9[%dma_start3A_31] : memref<10000xi32, #tpu.memory_space<vmem>> -> memref<80xi32, #tpu.memory_space<vmem>>
    %dma_start3A_33 = arith.constant 0 : i32
    %dma_start3A_34 = tpu.memref_slice %arg15[%dma_start3A_33] : memref<10000xf32, #tpu.memory_space<vmem_shared>> -> memref<10000xf32, #tpu.memory_space<vmem_shared>>
    tpu.enqueue_indirect_dma source(%arg13 : memref<80xf32, #tpu.memory_space<vmem>>) target(%dma_start3A_34 : memref<10000xf32, #tpu.memory_space<vmem_shared>>) offsets(%dma_start3A_32 : memref<80xi32, #tpu.memory_space<vmem>>) semaphore(%arg19 : memref<!tpu.dma_semaphore, #tpu.memory_space<semaphore_mem>>) {add = true}
    %dma_wait3A_35 = arith.constant 9920 : i32
    %dma_wait3A_36 = tpu.memref_slice %arg9[%dma_wait3A_35] : memref<10000xi32, #tpu.memory_space<vmem>> -> memref<80xi32, #tpu.memory_space<vmem>>
    %dma_wait3A_37 = arith.constant 0 : i32
    %dma_wait3A_38 = arith.constant 0 : i32
    %dma_wait3A_39 = tpu.memref_slice %arg14[%dma_wait3A_37, %dma_wait3A_38] : memref<10000x128xf32, #tpu.memory_space<vmem_shared>> -> memref<10000x128xf32, #tpu.memory_space<vmem_shared>>
    tpu.wait_indirect_dma semaphore(%arg18 : memref<!tpu.dma_semaphore, #tpu.memory_space<semaphore_mem>>) src(%arg11 : memref<80x128xf32, #tpu.memory_space<vmem>>) dst(%dma_wait3A_39 : memref<10000x128xf32, #tpu.memory_space<vmem_shared>>)
    %scan3A_40 = arith.constant 0 : i32
    %scan3A_41 = arith.constant 0 : i32
    %scan3A_42 = arith.constant 125 : i32
    %scan3A_43 = arith.addi %scan3A_41, %scan3A_42 : i32
    %scan3A_44 = arith.constant 1 : i32
    scf.for %scan3A_54 = %scan3A_41 to %scan3A_43 step %scan3A_44  : i32 {
      %mul3A_55 = arith.constant 80 : i32
      %mul3A_56 = arith.muli %scan3A_54, %mul3A_55 : i32
      %dma_wait3A_57 = tpu.memref_slice %arg9[%mul3A_56] : memref<10000xi32, #tpu.memory_space<vmem>> -> memref<80xi32, #tpu.memory_space<vmem>>
      %dma_wait3A_58 = arith.constant 0 : i32
      %dma_wait3A_59 = tpu.memref_slice %arg15[%dma_wait3A_58] : memref<10000xf32, #tpu.memory_space<vmem_shared>> -> memref<10000xf32, #tpu.memory_space<vmem_shared>>
      tpu.wait_indirect_dma semaphore(%arg19 : memref<!tpu.dma_semaphore, #tpu.memory_space<semaphore_mem>>) src(%arg13 : memref<80xf32, #tpu.memory_space<vmem>>) dst(%dma_wait3A_59 : memref<10000xf32, #tpu.memory_space<vmem_shared>>)
    }
    %scan3A_45 = arith.constant 125 : i32
    %barrier3A_46 = arith.constant 0 : index
    tpu.barrier barrier_id(%barrier3A_46)
    %mul3A_47 = arith.constant 624 : i32
    %mul3A_48 = arith.muli %arg1, %mul3A_47 : i32
    "tpu.region"() ({
      %run_scoped3A_54 = tpu.sem_alloc : memref<!tpu.dma_semaphore, #tpu.memory_space<semaphore_mem>>
      %dma_start3A_55 = arith.constant 0 : i32
      %dma_start3A_56 = tpu.memref_slice %arg7[%arg0, %mul3A_48, %dma_start3A_55] : memref<2x10000x128xf32, #tpu.memory_space<hbm>> -> memref<1x624x128xf32, #tpu.memory_space<hbm>>
      %dma_start3A_57 = tpu.memref_squeeze %dma_start3A_56 : memref<1x624x128xf32, #tpu.memory_space<hbm>> -> memref<624x128xf32, #tpu.memory_space<hbm>>
      %dma_start3A_58 = arith.constant 0 : i32
      %dma_start3A_59 = tpu.memref_slice %arg14[%mul3A_48, %dma_start3A_58] : memref<10000x128xf32, #tpu.memory_space<vmem_shared>> -> memref<624x128xf32, #tpu.memory_space<vmem_shared>>
      tpu.enqueue_dma source(%dma_start3A_59 : memref<624x128xf32, #tpu.memory_space<vmem_shared>>) target(%dma_start3A_57 : memref<624x128xf32, #tpu.memory_space<hbm>>) target_semaphore(%run_scoped3A_54 : memref<!tpu.dma_semaphore, #tpu.memory_space<semaphore_mem>>)
      %dma_wait3A_60 = arith.constant 0 : i32
      %dma_wait3A_61 = tpu.memref_slice %arg7[%arg0, %mul3A_48, %dma_wait3A_60] : memref<2x10000x128xf32, #tpu.memory_space<hbm>> -> memref<1x624x128xf32, #tpu.memory_space<hbm>>
      %dma_wait3A_62 = tpu.memref_squeeze %dma_wait3A_61 : memref<1x624x128xf32, #tpu.memory_space<hbm>> -> memref<624x128xf32, #tpu.memory_space<hbm>>
      %dma_wait3A_63 = arith.constant 0 : i32
      %dma_wait3A_64 = tpu.memref_slice %arg14[%mul3A_48, %dma_wait3A_63] : memref<10000x128xf32, #tpu.memory_space<vmem_shared>> -> memref<624x128xf32, #tpu.memory_space<vmem_shared>>
      tpu.wait_dma2 semaphore(%run_scoped3A_54 : memref<!tpu.dma_semaphore, #tpu.memory_space<semaphore_mem>>) src(%dma_wait3A_64 : memref<624x128xf32, #tpu.memory_space<vmem_shared>>) dst(%dma_wait3A_62 : memref<624x128xf32, #tpu.memory_space<hbm>>)
      tpu.yield
    }) : () -> ()
    "tpu.region"() ({
      %run_scoped3A_54 = tpu.sem_alloc : memref<!tpu.dma_semaphore, #tpu.memory_space<semaphore_mem>>
      %dma_start3A_55 = tpu.memref_slice %arg8[%arg0, %mul3A_48] : memref<2x10000xf32, #tpu.memory_space<hbm>> -> memref<1x624xf32, #tpu.memory_space<hbm>>
      %dma_start3A_56 = tpu.memref_squeeze %dma_start3A_55 : memref<1x624xf32, #tpu.memory_space<hbm>> -> memref<624xf32, #tpu.memory_space<hbm>>
      %dma_start3A_57 = tpu.memref_slice %arg15[%mul3A_48] : memref<10000xf32, #tpu.memory_space<vmem_shared>> -> memref<624xf32, #tpu.memory_space<vmem_shared>>
      tpu.enqueue_dma source(%dma_start3A_57 : memref<624xf32, #tpu.memory_space<vmem_shared>>) target(%dma_start3A_56 : memref<624xf32, #tpu.memory_space<hbm>>) target_semaphore(%run_scoped3A_54 : memref<!tpu.dma_semaphore, #tpu.memory_space<semaphore_mem>>)
      %dma_wait3A_58 = tpu.memref_slice %arg8[%arg0, %mul3A_48] : memref<2x10000xf32, #tpu.memory_space<hbm>> -> memref<1x624xf32, #tpu.memory_space<hbm>>
      %dma_wait3A_59 = tpu.memref_squeeze %dma_wait3A_58 : memref<1x624xf32, #tpu.memory_space<hbm>> -> memref<624xf32, #tpu.memory_space<hbm>>
      %dma_wait3A_60 = tpu.memref_slice %arg15[%mul3A_48] : memref<10000xf32, #tpu.memory_space<vmem_shared>> -> memref<624xf32, #tpu.memory_space<vmem_shared>>
      tpu.wait_dma2 semaphore(%run_scoped3A_54 : memref<!tpu.dma_semaphore, #tpu.memory_space<semaphore_mem>>) src(%dma_wait3A_60 : memref<624xf32, #tpu.memory_space<vmem_shared>>) dst(%dma_wait3A_59 : memref<624xf32, #tpu.memory_space<hbm>>)
      tpu.yield
    }) : () -> ()
    %eq3A_49 = arith.constant 15 : i32
    %eq3A_50 = arith.cmpi eq, %arg1, %eq3A_49 : i32
    %convert_element_type3A_51 = arith.extui %eq3A_50 : i1 to i32
    %cond3A_52 = arith.constant 0 : i32
    %cond3A_53 = arith.cmpi ne, %convert_element_type3A_51, %cond3A_52 : i32
    scf.if %cond3A_53 {
      "tpu.region"() ({
        %run_scoped3A_54 = tpu.sem_alloc : memref<!tpu.dma_semaphore, #tpu.memory_space<semaphore_mem>>
        %dma_start3A_55 = arith.constant 9984 : i32
        %dma_start3A_56 = arith.constant 0 : i32
        %dma_start3A_57 = tpu.memref_slice %arg7[%arg0, %dma_start3A_55, %dma_start3A_56] : memref<2x10000x128xf32, #tpu.memory_space<hbm>> -> memref<1x16x128xf32, #tpu.memory_space<hbm>>
        %dma_start3A_58 = tpu.memref_squeeze %dma_start3A_57 : memref<1x16x128xf32, #tpu.memory_space<hbm>> -> memref<16x128xf32, #tpu.memory_space<hbm>>
        %dma_start3A_59 = arith.constant 9984 : i32
        %dma_start3A_60 = arith.constant 0 : i32
        %dma_start3A_61 = tpu.memref_slice %arg14[%dma_start3A_59, %dma_start3A_60] : memref<10000x128xf32, #tpu.memory_space<vmem_shared>> -> memref<16x128xf32, #tpu.memory_space<vmem_shared>>
        tpu.enqueue_dma source(%dma_start3A_61 : memref<16x128xf32, #tpu.memory_space<vmem_shared>>) target(%dma_start3A_58 : memref<16x128xf32, #tpu.memory_space<hbm>>) target_semaphore(%run_scoped3A_54 : memref<!tpu.dma_semaphore, #tpu.memory_space<semaphore_mem>>)
        %dma_wait3A_62 = arith.constant 9984 : i32
        %dma_wait3A_63 = arith.constant 0 : i32
        %dma_wait3A_64 = tpu.memref_slice %arg7[%arg0, %dma_wait3A_62, %dma_wait3A_63] : memref<2x10000x128xf32, #tpu.memory_space<hbm>> -> memref<1x16x128xf32, #tpu.memory_space<hbm>>
        %dma_wait3A_65 = tpu.memref_squeeze %dma_wait3A_64 : memref<1x16x128xf32, #tpu.memory_space<hbm>> -> memref<16x128xf32, #tpu.memory_space<hbm>>
        %dma_wait3A_66 = arith.constant 9984 : i32
        %dma_wait3A_67 = arith.constant 0 : i32
        %dma_wait3A_68 = tpu.memref_slice %arg14[%dma_wait3A_66, %dma_wait3A_67] : memref<10000x128xf32, #tpu.memory_space<vmem_shared>> -> memref<16x128xf32, #tpu.memory_space<vmem_shared>>
        tpu.wait_dma2 semaphore(%run_scoped3A_54 : memref<!tpu.dma_semaphore, #tpu.memory_space<semaphore_mem>>) src(%dma_wait3A_68 : memref<16x128xf32, #tpu.memory_space<vmem_shared>>) dst(%dma_wait3A_65 : memref<16x128xf32, #tpu.memory_space<hbm>>)
        tpu.yield
      }) : () -> ()
      "tpu.region"() ({
        %run_scoped3A_54 = tpu.sem_alloc : memref<!tpu.dma_semaphore, #tpu.memory_space<semaphore_mem>>
        %dma_start3A_55 = arith.constant 9984 : i32
        %dma_start3A_56 = tpu.memref_slice %arg8[%arg0, %dma_start3A_55] : memref<2x10000xf32, #tpu.memory_space<hbm>> -> memref<1x16xf32, #tpu.memory_space<hbm>>
        %dma_start3A_57 = tpu.memref_squeeze %dma_start3A_56 : memref<1x16xf32, #tpu.memory_space<hbm>> -> memref<16xf32, #tpu.memory_space<hbm>>
        %dma_start3A_58 = arith.constant 9984 : i32
        %dma_start3A_59 = tpu.memref_slice %arg15[%dma_start3A_58] : memref<10000xf32, #tpu.memory_space<vmem_shared>> -> memref<16xf32, #tpu.memory_space<vmem_shared>>
        tpu.enqueue_dma source(%dma_start3A_59 : memref<16xf32, #tpu.memory_space<vmem_shared>>) target(%dma_start3A_57 : memref<16xf32, #tpu.memory_space<hbm>>) target_semaphore(%run_scoped3A_54 : memref<!tpu.dma_semaphore, #tpu.memory_space<semaphore_mem>>)
        %dma_wait3A_60 = arith.constant 9984 : i32
        %dma_wait3A_61 = tpu.memref_slice %arg8[%arg0, %dma_wait3A_60] : memref<2x10000xf32, #tpu.memory_space<hbm>> -> memref<1x16xf32, #tpu.memory_space<hbm>>
        %dma_wait3A_62 = tpu.memref_squeeze %dma_wait3A_61 : memref<1x16xf32, #tpu.memory_space<hbm>> -> memref<16xf32, #tpu.memory_space<hbm>>
        %dma_wait3A_63 = arith.constant 9984 : i32
        %dma_wait3A_64 = tpu.memref_slice %arg15[%dma_wait3A_63] : memref<10000xf32, #tpu.memory_space<vmem_shared>> -> memref<16xf32, #tpu.memory_space<vmem_shared>>
        tpu.wait_dma2 semaphore(%run_scoped3A_54 : memref<!tpu.dma_semaphore, #tpu.memory_space<semaphore_mem>>) src(%dma_wait3A_64 : memref<16xf32, #tpu.memory_space<vmem_shared>>) dst(%dma_wait3A_62 : memref<16xf32, #tpu.memory_space<hbm>>)
        tpu.yield
      }) : () -> ()
    } else {
    }
    return
  }
}

module attributes {stable_mosaic.version = 14 : i64} {
  func.func @_tc_body(%arg0: i32, %arg1: memref<10000x128xf32, #tpu.memory_space<vmem>>, %arg2: memref<2x10000x128xf32, #tpu.memory_space<vmem>>, %arg3: memref<2x10000xf32, #tpu.memory_space<vmem>>, %arg4: memref<256x128xf32, #tpu.memory_space<vmem>>, %arg5: memref<1x128xf32, #tpu.memory_space<vmem>>, %arg6: memref<10000x128xf32, #tpu.memory_space<vmem>>) attributes {dimension_semantics = [#tpu.dimension_semantics<arbitrary>], iteration_bounds = array<i64: 1>, scalar_prefetch = 0 : i64, scratch_operands = 0 : i64, tpu.core_type = #tpu.core_type<tc>, window_params = [{pipeline_mode = #tpu.pipeline_mode<synchronous>, transform_indices = @transform_0, window_bounds = array<i64: 10000, 128>}, {pipeline_mode = #tpu.pipeline_mode<synchronous>, transform_indices = @transform_1, window_bounds = array<i64: 2, 10000, 128>}, {pipeline_mode = #tpu.pipeline_mode<synchronous>, transform_indices = @transform_2, window_bounds = array<i64: 2, 10000>}, {pipeline_mode = #tpu.pipeline_mode<synchronous>, transform_indices = @transform_3, window_bounds = array<i64: 256, 128>}, {pipeline_mode = #tpu.pipeline_mode<synchronous>, transform_indices = @transform_4, window_bounds = array<i64: 1, 128>}, {pipeline_mode = #tpu.pipeline_mode<synchronous>, transform_indices = @transform_5, window_bounds = array<i64: 10000, 128>}]} {
    %get3A = arith.constant 0 : index
    %get3A_0 = arith.constant 0 : index
    %get3A_1 = arith.constant 0 : index
    %get3A_2 = vector.load %arg2[%get3A, %get3A_0, %get3A_1] : memref<2x10000x128xf32, #tpu.memory_space<vmem>>, vector<1x10000x128xf32>
    %get3A_3 = vector.shape_cast %get3A_2 : vector<1x10000x128xf32> to vector<10000x128xf32>
    %get3A_4 = arith.constant 1 : index
    %get3A_5 = arith.constant 0 : index
    %get3A_6 = arith.constant 0 : index
    %get3A_7 = vector.load %arg2[%get3A_4, %get3A_5, %get3A_6] : memref<2x10000x128xf32, #tpu.memory_space<vmem>>, vector<1x10000x128xf32>
    %get3A_8 = vector.shape_cast %get3A_7 : vector<1x10000x128xf32> to vector<10000x128xf32>
    %add3A = arith.addf %get3A_3, %get3A_8 : vector<10000x128xf32>
    %get3A_9 = arith.constant 0 : index
    %get3A_10 = arith.constant 0 : index
    %get3A_11 = vector.load %arg3[%get3A_9, %get3A_10] : memref<2x10000xf32, #tpu.memory_space<vmem>>, vector<1x10000xf32>
    %get3A_12 = vector.shape_cast %get3A_11 : vector<1x10000xf32> to vector<10000xf32>
    %get3A_13 = arith.constant 1 : index
    %get3A_14 = arith.constant 0 : index
    %get3A_15 = vector.load %arg3[%get3A_13, %get3A_14] : memref<2x10000xf32, #tpu.memory_space<vmem>>, vector<1x10000xf32>
    %get3A_16 = vector.shape_cast %get3A_15 : vector<1x10000xf32> to vector<10000xf32>
    %add3A_17 = arith.addf %get3A_12, %get3A_16 : vector<10000xf32>
    %max3A = arith.constant 1.000000e+00 : f32
    %max3A_18 = vector.broadcast %max3A : f32 to vector<10000xf32>
    %max3A_19 = arith.maximumf %add3A_17, %max3A_18 : vector<10000xf32>
    %broadcast_in_dim3A = vector.shape_cast %max3A_19 : vector<10000xf32> to vector<10000x1xf32>
    %div3A = vector.broadcast %broadcast_in_dim3A : vector<10000x1xf32> to vector<10000x128xf32>
    %div3A_20 = arith.divf %add3A, %div3A : vector<10000x128xf32>
    %get3A_21 = arith.constant 0 : index
    %get3A_22 = arith.constant 0 : index
    %get3A_23 = vector.load %arg1[%get3A_21, %get3A_22] : memref<10000x128xf32, #tpu.memory_space<vmem>>, vector<10000x128xf32>
    %get3A_24 = arith.constant 0 : index
    %get3A_25 = arith.constant 0 : index
    %get3A_26 = vector.load %arg4[%get3A_24, %get3A_25] : memref<256x128xf32, #tpu.memory_space<vmem>>, vector<128x128xf32>
    %dot_general3A = arith.constant dense<0.000000e+00> : vector<10000x128xf32>
    %dot_general3A_27 = tpu.matmul %get3A_23, %get3A_26, %dot_general3A {dimension_numbers = #tpu.dot_dimension_numbers<[1], [0], [0], [1], [0, 0, 1, 1], [], []>, transpose_lhs_hint = false} : vector<10000x128xf32>, vector<128x128xf32>, vector<10000x128xf32> -> vector<10000x128xf32>
    %get3A_28 = arith.constant 128 : index
    %get3A_29 = arith.constant 0 : index
    %get3A_30 = vector.load %arg4[%get3A_28, %get3A_29] : memref<256x128xf32, #tpu.memory_space<vmem>>, vector<128x128xf32>
    %dot_general3A_31 = arith.constant dense<0.000000e+00> : vector<10000x128xf32>
    %dot_general3A_32 = tpu.matmul %div3A_20, %get3A_30, %dot_general3A_31 {dimension_numbers = #tpu.dot_dimension_numbers<[1], [0], [0], [1], [0, 0, 1, 1], [], []>, transpose_lhs_hint = false} : vector<10000x128xf32>, vector<128x128xf32>, vector<10000x128xf32> -> vector<10000x128xf32>
    %add3A_33 = arith.addf %dot_general3A_27, %dot_general3A_32 : vector<10000x128xf32>
    %get3A_34 = arith.constant 0 : index
    %get3A_35 = arith.constant 0 : index
    %get3A_36 = vector.load %arg5[%get3A_34, %get3A_35] : memref<1x128xf32, #tpu.memory_space<vmem>>, vector<1x128xf32>
    %add3A_37 = vector.broadcast %get3A_36 : vector<1x128xf32> to vector<10000x128xf32>
    %add3A_38 = arith.addf %add3A_33, %add3A_37 : vector<10000x128xf32>
    %swap3A = arith.constant 0 : index
    %swap3A_39 = arith.constant 0 : index
    %swap3A_40 = vector.load %arg6[%swap3A, %swap3A_39] : memref<10000x128xf32, #tpu.memory_space<vmem>>, vector<10000x128xf32>
    tpu.vector_store %arg6[%swap3A, %swap3A_39], %add3A_38 {strides = array<i32>} : memref<10000x128xf32, #tpu.memory_space<vmem>>, vector<10000x128xf32>,
    return
  }
  func.func @transform_0(%arg0: i32) -> (i32, i32) {
    %c0_i32 = arith.constant 0 : i32
    %c0_i32_0 = arith.constant 0 : i32
    %c0_i32_1 = arith.constant 0 : i32
    return %c0_i32, %c0_i32_0 : i32, i32
  }
  func.func @transform_1(%arg0: i32) -> (i32, i32, i32) {
    %c0_i32 = arith.constant 0 : i32
    %c0_i32_0 = arith.constant 0 : i32
    %c0_i32_1 = arith.constant 0 : i32
    %c0_i32_2 = arith.constant 0 : i32
    return %c0_i32, %c0_i32_0, %c0_i32_1 : i32, i32, i32
  }
  func.func @transform_2(%arg0: i32) -> (i32, i32) {
    %c0_i32 = arith.constant 0 : i32
    %c0_i32_0 = arith.constant 0 : i32
    %c0_i32_1 = arith.constant 0 : i32
    return %c0_i32, %c0_i32_0 : i32, i32
  }
  func.func @transform_3(%arg0: i32) -> (i32, i32) {
    %c0_i32 = arith.constant 0 : i32
    %c0_i32_0 = arith.constant 0 : i32
    %c0_i32_1 = arith.constant 0 : i32
    return %c0_i32, %c0_i32_0 : i32, i32
  }
  func.func @transform_4(%arg0: i32) -> (i32, i32) {
    %c0_i32 = arith.constant 0 : i32
    %c0_i32_0 = arith.constant 0 : i32
    %c0_i32_1 = arith.constant 0 : i32
    return %c0_i32, %c0_i32_0 : i32, i32
  }
  func.func @transform_5(%arg0: i32) -> (i32, i32) {
    %c0_i32 = arith.constant 0 : i32
    %c0_i32_0 = arith.constant 0 : i32
    %c0_i32_1 = arith.constant 0 : i32
    return %c0_i32, %c0_i32_0 : i32, i32
  }
}

</mosaic_0001>

<sc_bundles>
// kernel: kernel.4.cloned.1.call-start
scs
__scs_entry_jumppad:
0x0: {  	(pc) =	sbr.rel $0x88, $3  }
0x1: {  	(tag) =	ssettag $0x0;
	lr =	simm.s32 $0x1  }
0x2: {  	[smem:$0x3F9D] =	sst lr;
	_ =	strace $0xD0000000  }
0x3: {  	_ = 	snop  }
0x4: {  	_ = 	snop  }
0x5: {  	_ = 	snop  }
0x6: {  	_ = 	snop  }
0x7: {  	_ = 	snop  }
__scs_overlays_trampoline_lowered:
0x8: {  	[smem:$0x3FAC] =	sst s0  }
0x9: {  	[smem:$0x3FAD] =	sst s1  }
0xa: {  	[smem:$0x3FAE] =	sst s2  }
0xb: {  	[smem:$0x3FAF] =	sst s3  }
0xc: {  	[smem:$0x3FB0] =	sst s4  }
0xd: {  	[smem:$0x3FB1] =	sst s5  }
0xe: {  	[smem:$0x3FB2] =	sst s6  }
0xf: {  	[smem:$0x3FB3] =	sst s7  }
0x10: {  	[smem:$0x3FB4] =	sst s8  }
0x11: {  	[smem:$0x3FB5] =	sst s9;
	s0 =	simm.s32 @!p0 $0x0  }
0x12: {  	s1 =	sld [smem:$0x3F9B];
	s0 =	simm.s32 @p0 $0x1  }
0x13: {  	[smem:$0x3FB6] =	sst s0;
	s0 =	simm.s32 @!p1 $0x0  }
0x14: {  	s2 =	sld [smem:$0x3F9A];
	s0 =	simm.s32 @p1 $0x1  }
0x15: {  	[smem:$0x3FB7] =	sst s0;
	s0 =	simm.s32 @!p2 $0x0  }
0x16: {  	s3 =	sld [smem:$0x3FDB];
	s0 =	simm.s32 @p2 $0x1  }
0x17: {  	s4 =	simm.s32 $0x1BF5;
	[smem:$0x3FB9] =	sst s0  }
0x18: {  	s0 =	sld [smem:$0x3F9C];
	_ =	swait.ge [sflag:s4], $0x0  }
0x19: {  	s7 =	sld [smem:$0x3F9D]  }
0x1a: {  	s8 =	sadd.s32 $0xFFFFE003, lr  }
0x1b: {  	s9 =	sadd.s32 $0xFFFFFEF7, lr;
	s5 =	simm.s32 $0xFFFFFFFF;
	p2 =	slt.u32 s8, $0xFFFFF086  }
0x1c: {  	p1 =	slt.u32 s9, $0xF7A;
	s5 =	simm.s32 @!p2 $0x0  }
0x1d: {  	s5 =	simm.s32 @p1 $0x1;
	p0 =	seq.s32 s7, s2  }
0x1e: {  	s7 =	smul.u32 @!p0 $0xF7A, s2;
	p2 =	seq.s32 @!p0 s5, $0x0  }
0x1f: {  	s9 =	smul.u32 $0xF7A, s1;
	s8 =	simm.s32 @!p0 $0x1BF5;
	p2 =	por !p2, p0  }
0x20: {  	[sflag:s8] =	ssyncset.s32 @!p0 $0xFFFFF086;
	s6 =	sadd.s32 @!p0 s3, s7;
	s7 =	simm.s32 @!p0 $0x108  }
0x21: {  	s3 =	sadd.s32 s3, s9;
	s6 =	sadd.s32 @!p0 $0x88, s6;
	s7 =	simm.s32 @p2 $0x1082  }
0x22: {  	[simem:s7], [sflag:s8] =	dma.local @!p0 [hbm:s6], $0xF7A  }
0x23: {  	s9 =	sor.u32 $0xD0000000, s2;
	s6 =	simm.s32 $0x108;
	_ =	swait.ge @!p0 [sflag:s8], $0x0  }
0x24: {  	s3 =	sadd.s32 $0x88, s3;
	s6 =	simm.s32 @!p1 $0x1082;
	[sflag:s4] =	ssyncset.s32 $0xFFFFF086  }
0x25: {  	[simem:s6], [sflag:s4] =	dma.local [hbm:s3], $0xF7A  }
0x26: {  	[smem:$0x3F9D] =	sst s1;
	(tag) =	ssettag s2;
	_ =	strace s9  }
0x27: {  	s1 =	sld [smem:$0x3FAD]  }
0x28: {  	s2 =	sld [smem:$0x3FAE]  }
0x29: {  	s4 =	sld [smem:$0x3FB0]  }
0x2a: {  	p0 =	seq.s32 s5, $0x0;
	s5 =	sld [smem:$0x3FB1]  }
0x2b: {  	s6 =	sld [smem:$0x3FB2]  }
0x2c: {  	s7 =	sld [smem:$0x3FB3]  }
0x2d: {  	s3 =	simm.s32 $0x108;
	s8 =	sld [smem:$0x3FB4]  }
0x2e: {  	s3 =	simm.s32 @!p0 $0x1082;
	s9 =	sld [smem:$0x3FB5]  }
0x2f: {  	lr =	sadd.s32 s0, s3;
	s0 =	sld [smem:$0x3FAC]  }
0x30: {  	s3 =	sld [smem:$0x3FAF]  }
0x31: {  	[smem:$0x3FB8] =	sst s10  }
0x32: {  	s10 =	sld [smem:$0x3FB6];
	_ =	sdelay $0x3  }
0x33: {  	p0 =	seq.s32 s10, $0x1;
	s10 =	sld [smem:$0x3FB8];
	_ =	sdelay $0x3  }
0x34: {  	[smem:$0x3FB8] =	sst s10  }
0x35: {  	s10 =	sld [smem:$0x3FB7];
	_ =	sdelay $0x3  }
0x36: {  	p1 =	seq.s32 s10, $0x1;
	s10 =	sld [smem:$0x3FB8];
	_ =	sdelay $0x3  }
0x37: {  	[smem:$0x3FB8] =	sst s10  }
0x38: {  	s10 =	sld [smem:$0x3FB9]  }
0x39: {  	_ = 	snop;
	(pc) =	sbr.ind lr, $3  }
0x3a: {  	_ = 	snop  }
0x3b: {  	_ = 	snop  }
0x3c: {  	p2 =	seq.s32 s10, $0x1;
	s10 =	sld [smem:$0x3FB8]  }
0x3d: {  	_ =	shalt  }
0x3e: {  	_ =	shalt  }
0x3f: {  	_ =	shalt  }
0x40: {  	_ =	shalt  }
0x41: {  	_ =	shalt  }
0x42: {  	_ =	shalt  }
0x43: {  	_ =	shalt  }
0x44: {  	_ =	shalt  }
0x45: {  	_ =	shalt  }
0x46: {  	_ =	shalt  }
0x47: {  	_ =	shalt  }
0x48: {  	_ =	shalt  }
0x49: {  	_ =	shalt  }
0x4a: {  	_ =	shalt  }
0x4b: {  	_ =	shalt  }
0x4c: {  	_ =	shalt  }
0x4d: {  	_ =	shalt  }
0x4e: {  	_ =	shalt  }
0x4f: {  	_ =	shalt  }
0x50: {  	_ =	shalt  }
0x51: {  	_ =	shalt  }
0x52: {  	_ =	shalt  }
0x53: {  	_ =	shalt  }
0x54: {  	_ =	shalt  }
0x55: {  	_ =	shalt  }
0x56: {  	_ =	shalt  }
0x57: {  	_ =	shalt  }
0x58: {  	_ =	shalt  }
0x59: {  	_ =	shalt  }
0x5a: {  	_ =	shalt  }
0x5b: {  	_ =	shalt  }
0x5c: {  	_ =	shalt  }
0x5d: {  	_ =	shalt  }
0x5e: {  	_ =	shalt  }
0x5f: {  	_ =	shalt  }
0x60: {  	_ =	shalt  }
0x61: {  	_ =	shalt  }
0x62: {  	_ =	shalt  }
0x63: {  	_ =	shalt  }
0x64: {  	_ =	shalt  }
0x65: {  	_ =	shalt  }
0x66: {  	_ =	shalt  }
0x67: {  	_ =	shalt  }
0x68: {  	_ =	shalt  }
0x69: {  	_ =	shalt  }
0x6a: {  	_ =	shalt  }
0x6b: {  	_ =	shalt  }
0x6c: {  	_ =	shalt  }
0x6d: {  	_ =	shalt  }
0x6e: {  	_ =	shalt  }
0x6f: {  	_ =	shalt  }
0x70: {  	_ =	shalt  }
0x71: {  	_ =	shalt  }
0x72: {  	_ =	shalt  }
0x73: {  	_ =	shalt  }
0x74: {  	_ =	shalt  }
0x75: {  	_ =	shalt  }
0x76: {  	_ =	shalt  }
0x77: {  	_ =	shalt  }
0x78: {  	_ =	shalt  }
0x79: {  	_ =	shalt  }
0x7a: {  	_ =	shalt  }
0x7b: {  	_ =	shalt  }
0x7c: {  	_ =	shalt  }
0x7d: {  	_ =	shalt  }
0x7e: {  	_ =	shalt  }
0x7f: {  	_ =	shalt  }
0x80: {  	_ =	shalt  }
0x81: {  	_ =	shalt  }
0x82: {  	_ =	shalt  }
0x83: {  	_ =	shalt  }
0x84: {  	_ =	shalt  }
0x85: {  	_ =	shalt  }
0x86: {  	_ =	shalt  }
0x87: {  	_ =	shalt  }
.Lfunc_end0:
.L_simem_size_0:
called_computation_lowered:
.L_overlay_start_0:
0x88: {  	s2 =	sld [smem:$0x3FD9]  }
0x89: {  	s3 =	sld [smem:$0x3FFE];
	_ =	sdelay $0x1  }
0x8a: {  	s1 =	srdreg.scid  }
0x8b: {  	s0 =	sand.u32 $0x1, s1  }
0x8c: {  	s17 =	sshll.u32 s0, $0xA;
	s2 =	sadd.s32 s3, s2  }
0x8d: {  	s2 =	sadd.s32 s2, s17  }
0x8e: {  	[smem:$0x3FC4] =	sst s2  }
0x8f: {  	_ = 	snop  }
0x90: {  	s2 =	sld [smem:$0x3FC9]  }
0x91: {  	s18 =	sld [smem:$0x3FD0];
	(tm) =	ssettm $0x1  }
0x92: {  	s4 =	sld [smem:$0x3FFB];
	_ =	sdelay $0x3  }
0x93: {  	_ =	strace s4  }
0x94: {  	s4 =	sld [smem:$0x3FFC];
	_ =	sdelay $0x3  }
0x95: {  	_ =	strace s4  }
0x96: {  	s4 =	sld [smem:$0x3FFD];
	_ =	sdelay $0x3  }
0x97: {  	_ =	strace s4  }
0x98: {  	_ =	strace $0x8FFFFFFF  }
0x99: {  	s19 =	sld [smem:$0x3FDB];
	_ =	sdelay $0x1  }
0x9a: {  	s5 =	simm.s32 $_scs_section_size  }
0x9b: {  	s6 =	simm.s32 $_size__tile_overlayer_lowered;
	s7 =	simm.s32 $_tile_overlayer_lowered  }
0x9c: {  	s22 =	simm.s32 $0x1BFF;
	s21 =	sshll.u32 s7, $0x1;
	s4 =	sadd.s32 s5, s19  }
0x9d: {  	s8 =	simm.s32 $0x0;
	s20 =	sshll.u32 s6, $0x1;
	s6 =	sadd.s32 s21, s4  }
0x9e: {  	[timem:s8], [sflag:s22] =	dma.local [hbm:s6], s20  }
0x9f: {  	_ =	swait.ge [sflag:s22], s20  }
0xa0: {  	s5 =	ssub.s32 $0x0, s20;
	[sflag:s22] =	ssyncset.done $0x0  }
0xa1: {  	[sflag:s22] =	ssyncadd.s32 s5;
	_ =	sdelay $0x1  }
0xa2: {  	s23 =	simm.s32 $0x1B8B  }
0xa3: {  	_ =	swait.ge [sflag:s23], $0x1  }
0xa4: {  	[sflag:s23] =	ssyncset.done $0x0  }
0xa5: {  	s25 =	simm.s32 $0x1B8E;
	s24 =	sld [smem:$0x3FFE];
	[sflag:s23] =	ssyncadd.s32 $0xFFFFFFFF  }
0xa6: {  	s26 =	simm.s32 $execute0_lowered;
	[smem:$0x3FD2] =	sst s25  }
0xa7: {  	s6 =	sshll.u32 s26, $0x1;
	_ =	strace $0x80000046;
	[dreg:$0x1] =	wrdreg $0xFFFFFFFF  }
0xa8: {  	s28 =	simm.s32 $_size_execute0_lowered;
	s4 =	sadd.s32 s4, s6;
	[dreg:$0x0] =	wrdreg $0x0  }
0xa9: {  	s6 =	sshll.u32 s28, $0x1;
	[dreg:$0x2] =	wrdreg s4  }
0xaa: {  	[dreg:$0x3] =	wrdreg s6  }
0xab: {  	[dreg:$0x4] =	wrdreg $0xC0  }
0xac: {  	_ =	task [dreg:s8], $0x5FFFF  }
0xad: {  	[dreg:$0x1] =	wrdreg $0xFFFFFFFF  }
0xae: {  	[dreg:$0x0] =	wrdreg $0x60  }
0xaf: {  	[dreg:$0x2] =	wrdreg s2  }
0xb0: {  	[dreg:$0x3] =	wrdreg s18  }
0xb1: {  	[dreg:$0x4] =	wrdreg s24  }
0xb2: {  	[dreg:$0x5] =	wrdreg $0x9E700  }
0xb3: {  	[dreg:$0x6] =	wrdreg $0x1D6F00  }
0xb4: {  	[dreg:$0x7] =	wrdreg $0x9  }
0xb5: {  	_ =	task.clear_ibuf [dreg:s8], $0x8FFFF;
	_ =	strace $0x90000046  }
0xb6: {  	s29 =	simm.s32 $0x9;
	_ =	strace $0x80000048  }
0xb7: {  	_ =	swait.ge [sflag:s29], $0x1  }
0xb8: {  	[sflag:s29] =	ssyncadd.s32 $0xFFFFFFFF  }
0xb9: {  	_ =	strace $0x90000048  }
0xba: {  	_ =	sfence  }
0xbb: {  	s30 =	sld [smem:$0x0];
	_ =	sdelay $0x2  }
0xbc: {  	s31 =	sshll.u32 s1, $0xD;
	s1 =	sshrl.u32 s1, $0x2  }
0xbd: {  	s3 =	sand.u32 $0x4000, s31;
	s1 =	sadd.s32 s1, s30  }
0xbe: {  	s0 =	sor.u32 s3, s0;
	s1 =	sshll.u32 s1, $0x11  }
0xbf: {  	s0 =	sor.u32 s1, s0  }
0xc0: {  	s0 =	sadd.s32 $0x8F2B, s0  }
0xc1: {  	[sflag:s0] =	ssyncadd.remote.s32 $0x1  }
0xc2: {  	_ =	sfence.sel $0xFFFF  }
0xc3: {  	[dreg:$0x0] =	wrdreg $0xFFFFFFFF;
	(pc) =	sbr.abs _section_cstart, $3  }
0xc4: {  	[dreg:$0x1] =	wrdreg $0xFFFFFFFF  }
0xc5: {  	_ =	task.clear_ibuf [dreg:s8], $0x2FFFF;
	_ =	strace $0x9FFFFFFF  }
0xc6: {  	(tm) =	ssettm $0x7FFFFFFF  }
0xc7: {  	_ =	shalt  }
tec
execute0_lowered:
.L_overlay_start_1:
0x0: {  	(tag) =	ssettag $0x1  }
0x1: {  	s1 =	rddreg [dreg:$0x0]  }
0x2: {  	s0 =	rddreg [dreg:$0x1]  }
0x3: {  	s5 =	rddreg [dreg:$0x2]  }
0x4: {  	s2 =	rddreg [dreg:$0x3]  }
0x5: {  	s3 =	rddreg [dreg:$0x4]  }
0x6: {  	s4 =	simm.s32 $0x0;
	s17 =	srdreg.scid;
	s19 =	stileid.u32  }
0x7: {  	s29 =	simm.s32 $0x7620;
	s30 =	simm.s32 $0x1;
	s31 =	simm.s32 $0x3  }
0x8: {  	s28 =	simm.s32 $0x2670;
	[smem:$0x7FF] =	sst s4;
	s6 =	sadd.s32 $0x1A00, s5  }
0x9: {  	s7 =	sadd.s32 $0x1800, s5;
	s8 =	sadd.s32 $0x1600, s5;
	s10 =	smul.u32 $0x4E200, s19  }
0xa: {  	s18 =	sadd.s32 $0x4C00, s5;
	s12 =	smul.u32 $0x270, s19;
	s5 =	sadd.s32 $0x4200, s5  }
0xb: {  	s23 =	sshll.u32 s19, $0x6;
	_ =	strace $0x80000047;
	[dreg:$0x6] =	wrdreg s6  }
0xc: {  	s15 =	smul.u32 $0x13800, s19;
	s25 =	sadd.s32 $0x2700, s3;
	[dreg:$0x7] =	wrdreg s8  }
0xd: {  	p0 =	sne.s32 s19, $0xF;
	s6 =	sand.u32 $0x1, s17;
	[dreg:$0xa] =	wrdreg s25  }
0xe: {  	s9 =	sshll.u32 s6, $0x4;
	s11 =	ssub.s32 $0x2, s6;
	s21 =	smul.u32 $0x138800, s6  }
0xf: {  	s20 =	sshrl.u32 s10, $0x2;
	s16 =	sadd.s32 s12, s3;
	s6 =	smul.u32 $0x2710, s6  }
0x10: {  	s26 =	sadd.s32 s15, s2;
	s9 =	sor.u32 s19, s9;
	s13 =	sshrl.u32 s11, $0x1  }
0x11: {  	s22 =	sadd.s32 s20, s2;
	[dreg:$0x8] =	wrdreg s16;
	s20 =	simm.s32 $0x5  }
0x12: {  	s14 =	smul.u32 $0x2710, s9;
	s11 =	ssub.s32 s11, s13;
	s9 =	sor.u32 $0x1C05, s23  }
0x13: {  	s24 =	sadd.s32 s15, s21;
	s12 =	sadd.s32 s12, s6;
	s10 =	sshrl.u32 s21, $0x3  }
0x14: {  	s6 =	sshrl.u32 s6, $0x3;
	s19 =	sshrl.u32 s22, $0x3;
	s21 =	simm.s32 $0x9E20  }
0x15: {  	s22 =	simm.s32 $0x2710;
	s23 =	simm.s32 $0x50;
	s12 =	sshrl.u32 s12, $0x3  }
0x16: {  	s8 =	sadd.s32 s18, s10;
	s10 =	simm.s32 $0x0;
	s14 =	sshrl.u32 s14, $0x3  }
0x17: {  	s12 =	sadd.s32 s5, s12;
	s5 =	sadd.s32 s5, s6;
	s16 =	sadd.s32 $0x27000, s8  }
0x18: {  	s6 =	sadd.s32 $0x138000, s2;
	s8 =	simm.s32 $0x4;
	s14 =	sadd.s32 s0, s14  }
0x19: {  	s0 =	sshrl.u32 s24, $0x3;
	[dreg:$0xd] =	wrdreg s12;
	s17 =	sadd.s32 $0x4E0, s5  }
0x1a: {  	s24 =	sshrl.u32 s26, $0x3;
	s25 =	sshrl.u32 @!p0 s6, $0x3;
	s26 =	simm.s32 $0x4E20  }
0x1b: {  	s5 =	simm.s32 $0x2620;
	[dreg:$0x9] =	wrdreg s14;
	s14 =	sadd.s32 $0x9C40, s14  }
0x1c: {  	s6 =	simm.s32 $0x26C0;
	s0 =	sadd.s32 s18, s0;
	[dreg:$0xb] =	wrdreg s14  }
0x1d: {  	s18 =	smax.u32 s11, $0x1;
	[dreg:$0xc] =	wrdreg s0;
	s0 =	simm.s32 $0x2  }
.LBB2_1:
0x1e: {  	s11 =	rddreg [dreg:$0x6]  }
0x1f: {  	[spmem:s19], [sflag:s9] =	dma.local [hbm:s11], $0x2710  }
0x20: {  	_ =	swait.ge [sflag:s20], $0x2710  }
0x21: {  	[sflag:s20] =	ssyncset.done $0x0;
	s14 =	rddreg [dreg:$0x8]  }
0x22: {  	[sflag:s20] =	ssyncadd.s32 $0xFFFFD8F0;
	s13 =	sshrl.u32 s14, $0x3  }
0x23: {  	[spmem:s13], [sflag:s9] =	dma.local [hbm:s7], $0x4E  }
0x24: {  	_ =	swait.ge [sflag:s20], $0x4E  }
0x25: {  	[sflag:s20] =	ssyncset.done $0x0;
	s11 =	rddreg [dreg:$0xa]  }
0x26: {  	[sflag:s20] =	ssyncadd.s32 $0xFFFFFFB2;
	s12 =	sshrl.u32 @!p0 s11, $0x3;
	s11 =	simm.s32 @!p0 $0x5  }
0x27: {  	[spmem:s12], [sflag:s9] =	dma.local @!p0 [hbm:s7], $0x2  }
0x28: {  	_ =	swait.ge @!p0 [sflag:s11], $0x2  }
0x29: {  	[sflag:s11] =	ssyncset.done @!p0 $0x0  }
0x2a: {  	s15 =	rddreg [dreg:$0x7];
	[sflag:s11] =	ssyncadd.s32 @!p0 $0xFFFFFFFE  }
0x2b: {  	[tilespmem:s21], [sflag:$0x5] =	stream.linear.gather [hbm4b:s15+s4], $0x50, $0x38;
	[tilespmem:$0x1D968] =	vst v63  }
0x2c: {  	_ =	swait.ge [sflag:s20], $0x50  }
0x2d: {  	[sflag:s20] =	ssyncset.done $0x0  }
0x2e: {  	s14 =	rddreg [dreg:$0x9];
	[sflag:s20] =	ssyncadd.s32 $0xFFFFFFB0  }
0x2f: {  	[tilespmem:s4], [sflag:$0x5] =	stream.linear.gather [hbm4b:s14+s4], $0x2710, $0x38;
	[tilespmem:$0x1D968] =	vst v63  }
0x30: {  	_ =	swait.ge [sflag:s20], $0x2710  }
0x31: {  	[sflag:s20] =	ssyncset.done $0x0  }
0x32: {  	s15 =	rddreg [dreg:$0xb];
	[sflag:s20] =	ssyncadd.s32 $0xFFFFD8F0  }
0x33: {  	[tilespmem:s22], [sflag:$0x5] =	stream.linear.gather [hbm4b:s15+s4], $0x2710, $0x38;
	[tilespmem:$0x1D968] =	vst v63  }
0x34: {  	_ =	swait.ge [sflag:s20], $0x2710  }
0x35: {  	[sflag:s20] =	ssyncset.done $0x0  }
0x36: {  	[sflag:s20] =	ssyncadd.s32 $0xFFFFD8F0  }
0x37: {  	[bflag:$0x0] =	sbarrier.arrive $0xFFFF  }
0x38: {  	[tilespmem:s26], [sflag:$0x1] =	stream.indirect.gather [hbm4b:s1+s23], $0x80, s22, s23, $0xb8;
	[tilespmem:$0x1D968] =	vst v63  }
0x39: {  	s14 =	simm.s32 $0x2760  }
0x3a: {  	[tilespmem:s29], [sflag:$0x2] =	stream.indirect.gather [hbm4b:s1+s23], $0x80, s14, s23, $0xb8;
	[tilespmem:$0x1D968] =	vst v63  }
0x3b: {  	_ =	swait.ge [sflag:s30], $0x2800  }
0x3c: {  	[sflag:s30] =	ssyncset.done $0x0  }
0x3d: {  	s15 =	simm.s32 $0x0;
	[sflag:s30] =	ssyncadd.s32 $0xFFFFD800  }
0x3e: {  	[spmem:s2] =	stream.indirect.scatter.add.f32 [tilespmem:s26], [sflag:$0x3], $0x80, s15, s23, $0xb8;
	[tilespmem:$0x1D968] =	vst v63  }
0x3f: {  	_ = 	snop  }
0x40: {  	[spmem:s3] =	stream.indirect.scatter.add.f32 [tilespmem:s21], [sflag:$0x4], $0x1, s15, s23, $0xb8;
	[tilespmem:$0x1D968] =	vst v63  }
0x41: {  	_ =	swait.ge [sflag:s31], $0x2800  }
0x42: {  	[sflag:s31] =	ssyncset.done $0x0  }
0x43: {  	s14 =	simm.s32 $0x27B0;
	[sflag:s31] =	ssyncadd.s32 $0xFFFFD800  }
0x44: {  	[tilespmem:s26], [sflag:$0x1] =	stream.indirect.gather [hbm4b:s1+s23], $0x80, s14, s23, $0xb8;
	[tilespmem:$0x1D968] =	vst v63  }
0x45: {  	_ =	swait.ge [sflag:s0], $0x2800  }
0x46: {  	[sflag:s0] =	ssyncset.done $0x0  }
0x47: {  	s15 =	simm.s32 $0x50;
	[sflag:s0] =	ssyncadd.s32 $0xFFFFD800  }
0x48: {  	[spmem:s2] =	stream.indirect.scatter.add.f32 [tilespmem:s29], [sflag:$0x3], $0x80, s15, s23, $0xb8;
	[tilespmem:$0x1D968] =	vst v63  }
0x49: {  	_ = 	snop  }
0x4a: {  	[spmem:s3] =	stream.indirect.scatter.add.f32 [tilespmem:s21], [sflag:$0x4], $0x1, s15, s23, $0xb8;
	[tilespmem:$0x1D968] =	vst v63  }
0x4b: {  	_ =	swait.ge [sflag:s31], $0x2800  }
0x4c: {  	[sflag:s31] =	ssyncset.done $0x0  }
0x4d: {  	s11 =	simm.s32 $0x2800;
	s14 =	simm.s32 $0x280;
	[sflag:s31] =	ssyncadd.s32 $0xFFFFD800  }
.LBB2_2:
0x4e: {  	[tilespmem:s29], [sflag:$0x2] =	stream.indirect.gather [hbm4b:s1+s23], $0x80, s11, s23, $0xb8;
	[tilespmem:$0x1D968] =	vst v63  }
0x4f: {  	s11 =	smov.u32 s14  }
0x50: {  	p1 =	sne.s32 s14, $0x9600;
	s14 =	sadd.s32 $0x280, s14;
	_ =	swait.ge [sflag:s30], $0x2800  }
0x51: {  	[sflag:s30] =	ssyncset.done $0x0  }
0x52: {  	s11 =	sshra.s32 s11, $0x2;
	[sflag:s30] =	ssyncadd.s32 $0xFFFFD800  }
0x53: {  	[spmem:s2] =	stream.indirect.scatter.add.f32 [tilespmem:s26], [sflag:$0x3], $0x80, s11, s23, $0xb8;
	[tilespmem:$0x1D968] =	vst v63  }
0x54: {  	_ = 	snop  }
0x55: {  	[spmem:s3] =	stream.indirect.scatter.add.f32 [tilespmem:s21], [sflag:$0x4], $0x1, s11, s23, $0xb8;
	[tilespmem:$0x1D968] =	vst v63  }
0x56: {  	_ =	swait.ge [sflag:s31], $0x2800  }
0x57: {  	[sflag:s31] =	ssyncset.done $0x0  }
0x58: {  	s15 =	sadd.s32 $0x27B0, s11;
	[sflag:s31] =	ssyncadd.s32 $0xFFFFD800  }
0x59: {  	[tilespmem:s26], [sflag:$0x1] =	stream.indirect.gather [hbm4b:s1+s23], $0x80, s15, s23, $0xb8;
	[tilespmem:$0x1D968] =	vst v63  }
0x5a: {  	_ =	swait.ge [sflag:s0], $0x2800  }
0x5b: {  	[sflag:s0] =	ssyncset.done $0x0  }
0x5c: {  	s15 =	sadd.s32 $0x50, s11;
	[sflag:s0] =	ssyncadd.s32 $0xFFFFD800  }
0x5d: {  	[spmem:s2] =	stream.indirect.scatter.add.f32 [tilespmem:s29], [sflag:$0x3], $0x80, s15, s23, $0xb8;
	[tilespmem:$0x1D968] =	vst v63  }
.Ltmp0:
0x5e: {  	(pc) =	sbr.rel @p1 .LBB2_2-.Ltmp0, $4  }
0x5f: {  	[spmem:s3] =	stream.indirect.scatter.add.f32 [tilespmem:s21], [sflag:$0x4], $0x1, s15, s23, $0xb8;
	[tilespmem:$0x1D968] =	vst v63  }
0x60: {  	_ =	swait.ge [sflag:s31], $0x2800  }
0x61: {  	[sflag:s31] =	ssyncset.done $0x0  }
0x62: {  	s11 =	sadd.s32 $0x2800, s11;
	[sflag:s31] =	ssyncadd.s32 $0xFFFFD800  }
0x63: {  	[tilespmem:s29], [sflag:$0x2] =	stream.indirect.gather [hbm4b:s1+s23], $0x80, s11, s23, $0xb8;
	[tilespmem:$0x1D968] =	vst v63  }
0x64: {  	_ =	swait.ge [sflag:s30], $0x2800  }
0x65: {  	[sflag:s30] =	ssyncset.done $0x0  }
0x66: {  	[sflag:s30] =	ssyncadd.s32 $0xFFFFD800  }
0x67: {  	[spmem:s2] =	stream.indirect.scatter.add.f32 [tilespmem:s26], [sflag:$0x3], $0x80, s5, s23, $0xb8;
	[tilespmem:$0x1D968] =	vst v63  }
0x68: {  	_ = 	snop  }
0x69: {  	[spmem:s3] =	stream.indirect.scatter.add.f32 [tilespmem:s21], [sflag:$0x4], $0x1, s5, s23, $0xb8;
	[tilespmem:$0x1D968] =	vst v63  }
0x6a: {  	_ =	swait.ge [sflag:s31], $0x2800  }
0x6b: {  	[sflag:s31] =	ssyncset.done $0x0  }
0x6c: {  	s15 =	simm.s32 $0x4DD0;
	[sflag:s31] =	ssyncadd.s32 $0xFFFFD800  }
0x6d: {  	[tilespmem:s26], [sflag:$0x1] =	stream.indirect.gather [hbm4b:s1+s23], $0x80, s15, s23, $0xb8;
	[tilespmem:$0x1D968] =	vst v63  }
0x6e: {  	_ =	swait.ge [sflag:s0], $0x2800  }
0x6f: {  	[sflag:s0] =	ssyncset.done $0x0  }
0x70: {  	[sflag:s0] =	ssyncadd.s32 $0xFFFFD800  }
0x71: {  	[spmem:s2] =	stream.indirect.scatter.add.f32 [tilespmem:s29], [sflag:$0x3], $0x80, s28, s23, $0xb8;
	[tilespmem:$0x1D968] =	vst v63  }
0x72: {  	_ = 	snop  }
0x73: {  	[spmem:s3] =	stream.indirect.scatter.add.f32 [tilespmem:s21], [sflag:$0x4], $0x1, s28, s23, $0xb8;
	[tilespmem:$0x1D968] =	vst v63  }
0x74: {  	_ =	swait.ge [sflag:s31], $0x2800  }
0x75: {  	[sflag:s31] =	ssyncset.done $0x0  }
0x76: {  	[sflag:s31] =	ssyncadd.s32 $0xFFFFD800  }
0x77: {  	_ =	swait.ge [sflag:s30], $0x2800  }
0x78: {  	[sflag:s30] =	ssyncset.done $0x0  }
0x79: {  	[sflag:s30] =	ssyncadd.s32 $0xFFFFD800  }
0x7a: {  	[spmem:s2] =	stream.indirect.scatter.add.f32 [tilespmem:s26], [sflag:$0x3], $0x80, s6, s23, $0xb8;
	[tilespmem:$0x1D968] =	vst v63  }
0x7b: {  	_ = 	snop  }
0x7c: {  	[spmem:s3] =	stream.indirect.scatter.add.f32 [tilespmem:s21], [sflag:$0x4], $0x1, s6, s23, $0xb8;
	[tilespmem:$0x1D968] =	vst v63  }
0x7d: {  	_ =	swait.ge [sflag:s31], $0x2800  }
0x7e: {  	[sflag:s31] =	ssyncset.done $0x0  }
0x7f: {  	[sflag:s31] =	ssyncadd.s32 $0xFFFFD800  }
0x80: {  	_ =	swait.ge [sflag:s8], $0x50  }
0x81: {  	s14 =	simm.s32 $0x7C;
	[sflag:s8] =	ssyncset.done $0x0  }
.LBB2_4:
0x82: {  	p1 =	sne.s32 s14, $0x1;
	s14 =	sadd.s32 $0xFFFFFFFF, s14;
	[sflag:s8] =	ssyncadd.s32 $0xFFFFFFB0  }
.Ltmp1:
0x83: {  	(pc) =	sbr.rel @p1 .LBB2_4-.Ltmp1, $3  }
0x84: {  	_ =	sdelay $0x1  }
0x85: {  	_ =	swait.ge [sflag:s8], $0x50  }
0x86: {  	[sflag:s8] =	ssyncset.done $0x0  }
0x87: {  	[sflag:s8] =	ssyncadd.s32 $0xFFFFFFB0  }
0x88: {  	[bflag:$0x0] =	sbarrier.arrive $0xFFFF  }
0x89: {  	s11 =	rddreg [dreg:$0xc]  }
0x8a: {  	[hbm:s11], [sflag:s9] =	dma.local [spmem:s24], $0x2700  }
0x8b: {  	_ =	swait.ge [sflag:s20], $0x2700  }
0x8c: {  	[sflag:s20] =	ssyncset.done $0x0  }
0x8d: {  	s15 =	rddreg [dreg:$0xd];
	[sflag:s20] =	ssyncadd.s32 $0xFFFFD900  }
0x8e: {  	[hbm:s15], [sflag:s9] =	dma.local [spmem:s13], $0x4E  }
0x8f: {  	_ =	swait.ge [sflag:s20], $0x4E  }
0x90: {  	[sflag:s20] =	ssyncset.done $0x0  }
0x91: {  	s11 =	simm.s32 @!p0 $0x5;
	[sflag:s20] =	ssyncadd.s32 $0xFFFFFFB2  }
0x92: {  	[hbm:s16], [sflag:s9] =	dma.local @!p0 [spmem:s25], $0x100  }
0x93: {  	s10 =	sadd.s32 $0x1, s10;
	_ =	swait.ge @!p0 [sflag:s11], $0x100  }
0x94: {  	p1 =	sne.s32 s10, s18;
	[sflag:s11] =	ssyncset.done @!p0 $0x0  }
.Ltmp2:
0x95: {  	[sflag:s11] =	ssyncadd.s32 @!p0 $0xFFFFFF00;
	(pc) =	sbr.rel @p1 .LBB2_1-.Ltmp2, $4  }
0x96: {  	[hbm:s17], [sflag:s9] =	dma.local @!p0 [spmem:s12], $0x2  }
0x97: {  	_ =	swait.ge @!p0 [sflag:s11], $0x2  }
0x98: {  	[sflag:s11] =	ssyncset.done @!p0 $0x0  }
0x99: {  	[sflag:s11] =	ssyncadd.s32 @!p0 $0xFFFFFFFE  }
0x9a: {  	_ =	sfence.sel $0x180000  }
0x9b: {  	[bflag:$0x0] =	sbarrier.arrive $0xFFFF  }
0x9c: {  	_ =	strace $0x90000047  }
0x9d: {  	s0 =	stileid.u32;
	[bflag:$0x2] =	sbarrier.arrive $0xFFFF  }
0x9e: {  	p0 =	sne.s32 s0, $0x0;
	s0 =	rddreg [dreg:$0x5]  }
0x9f: {  	s0 =	sadd.s32 @!p0 $0x100000, s0  }
0xa0: {  	[sflag:s0] =	ssyncadd.tile.s32 @!p0 $0x1;
	_ =	shalt  }
.Lfunc_end2:
_tile_overlayer_lowered:
.L_overlay_start_2:
0xa1: {  	(tag) =	ssettag $0x2  }
0xa2: {  	s0 =	rddreg [dreg:$0x0];
	s2 =	stileid.u32  }
0xa3: {  	s1 =	rddreg [dreg:$0x1];
	p0 =	sne.s32 s2, $0x0  }
0xa4: {  	s3 =	rddreg [dreg:$0x2];
	[bflag:$0x3] =	sbarrier.arrive $0xFFFF;
	s2 =	simm.s32 @!p0 $0x1C05  }
0xa5: {  	[timem:s3], [sflag:s2] =	dma.local @!p0 [hbm:s0], s1  }
0xa6: {  	s0 =	simm.s32 @!p0 $0x5  }
0xa7: {  	_ =	swait.ge @!p0 [sflag:s0], s1  }
0xa8: {  	s1 =	ssub.s32 @!p0 $0x0, s1;
	[sflag:s0] =	ssyncset.done @!p0 $0x0  }
0xa9: {  	[sflag:s0] =	ssyncadd.s32 @!p0 s1  }
0xaa: {  	[bflag:$0x3] =	sbarrier.arrive $0xFFFF  }
0xab: {  	_ =	shalt  }

</sc_bundles>
